<compile_context>
chip_gen: v7x
topology: tpu7x:2x2x1
jax: 0.10.2.dev20260603
libtpu: 0.0.44.dev20260713+nightly
codegen_flags: <defaults>
</compile_context>

<pallas_src>
import functools

import jax
import jax.numpy as jnp
from jax import lax
from jax.experimental import pallas as pl
from jax.experimental.pallas import tpu as pltpu
from jax.experimental.pallas import tpu_sc as plsc

B, S, H = 4096, 200, 64
N = B * S
NC, NS = 2, 16
NW = NC * NS
PER_W = N // NW
CHUNK = 200
NCH = PER_W // CHUNK
NBUF = 4
LANES = 16

_mesh = plsc.VectorSubcoreMesh(core_axis_name="c", subcore_axis_name="s")


@functools.partial(
    pl.kernel,
    out_type=jax.ShapeDtypeStruct((N, H), jnp.float32),
    mesh=_mesh,
    scratch_types=[
        pltpu.VMEM((PER_W,), jnp.int32),
        pltpu.VMEM((CHUNK, H), jnp.float32),
    ]
    + [pltpu.VMEM((CHUNK, H), jnp.float32) for _ in range(NBUF)]
    + [pltpu.SemaphoreType.DMA for _ in range(2 * NBUF)],
    compiler_params=pltpu.CompilerParams(use_tc_tiling_on_sc=False),
)
def _emb_kernel(ids_hbm, table_hbm, pos_hbm, out_hbm, idx_v, pos_v, *bufs_sems):
    rows = bufs_sems[:NBUF]
    sem_g = bufs_sems[NBUF:2 * NBUF]
    sem_o = bufs_sems[2 * NBUF:]

    wid = lax.axis_index("s") * NC + lax.axis_index("c")
    base_w = wid * PER_W

    pltpu.sync_copy(ids_hbm.at[pl.ds(base_w, PER_W)], idx_v)
    pltpu.sync_copy(pos_hbm.at[pl.ds(0, S)], pos_v)

    def gather_start(c, j):
        pltpu.async_copy(
            table_hbm.at[idx_v.at[pl.ds(c * CHUNK, CHUNK)]], rows[j], sem_g[j]
        )

    def gather_wait(j):
        pltpu.make_async_copy(
            table_hbm.at[idx_v.at[pl.ds(0, CHUNK)]], rows[j], sem_g[j]
        ).wait()

    def scatter_start(c, j):
        pltpu.async_copy(
            rows[j], out_hbm.at[pl.ds(base_w + c * CHUNK, CHUNK)], sem_o[j]
        )

    def scatter_wait(j):
        pltpu.make_async_copy(
            rows[j], out_hbm.at[pl.ds(base_w, CHUNK)], sem_o[j]
        ).wait()

    gather_start(0, 0)
    gather_start(1, 1)

    def outer_body(c4, carry):
        for jj in range(NBUF):
            c = c4 * NBUF + jj
            j2 = (jj + 2) % NBUF

            @pl.when(c + 2 < NCH)
            def _():
                @pl.when(c >= 2)
                def _():
                    scatter_wait(j2)
                gather_start(c + 2, j2)

            gather_wait(jj)

            def add_body(i, carry2):
                for k in range(H // LANES):
                    sl = pl.ds(k * LANES, LANES)
                    rows[jj][i, sl] = rows[jj][i, sl] + pos_v[i, sl]
                return carry2

            lax.fori_loop(0, CHUNK, add_body, 0)
            scatter_start(c, jj)
        return carry

    lax.fori_loop(0, NCH // NBUF, outer_body, 0)

    for j in range(NBUF):
        scatter_wait(j)


def kernel(input_ids, word_table, pos_table):
    ids_flat = input_ids.reshape(-1).astype(jnp.int32)
    out = _emb_kernel(ids_flat, word_table, pos_table)
    return out.reshape(B, S, H)

# --- scband reference (transcript-rebuilt; emitter-appended) ---
"""Pipeline reference for scband-embedding-27762668601876 (READ-ONLY COPY).

The authoritative reference and input builder live on the scoring server;
editing this copy changes nothing except your own understanding.
"""

import jax, jax.numpy as jnp
import numpy as np

VOCAB = 1000000
HIDDEN = 64
MAX_POS = 512
BATCH = 4096
SEQ = 200


def setup_inputs(seed: int = 0) -> dict:
    key = jax.random.key(seed)
    k1, k2, k3 = jax.random.split(key, 3)
    input_ids = jax.random.randint(k1, (BATCH, SEQ), 0, VOCAB, dtype=jnp.int64 if jax.config.jax_enable_x64 else jnp.int32)
    word_table = jax.random.normal(k2, (VOCAB, HIDDEN), dtype=jnp.float32) * 0.02
    # padding_idx=0 -> row 0 initialized to zero, as in torch nn.Embedding(padding_idx=0)
    word_table = word_table.at[0].set(0.0)
    pos_table = jax.random.normal(k3, (MAX_POS, HIDDEN), dtype=jnp.float32) * 0.02
    return {"input_ids": input_ids, "word_table": word_table, "pos_table": pos_table}


def reference(input_ids, word_table, pos_table):
    seq_len = input_ids.shape[1]
    position_ids = jnp.arange(seq_len)[None, :]  # [1, S]
    position_embeddings = jnp.take(pos_table, position_ids, axis=0)  # [1, S, H]
    word_embeddings = jnp.take(word_table, input_ids, axis=0)  # [B, S, H]
    embeddings = word_embeddings + position_embeddings
    # dropout is identity in eval mode
    return embeddings

if __name__ == "__main__":
    import jax
    _d = setup_inputs()
    print(jax.jit(kernel)(*tuple(_d.values())))

</pallas_src>

<mosaic_0001>
#map = affine_map<(d0, d1) -> (0)>
#map1 = affine_map<(d0, d1) -> (0, 0)>
module attributes {stable_mosaic.version = 14 : i64} {
  func.func @_emb_kernel(%arg0: i32, %arg1: i32, %arg2: memref<819200xi32, #tpu.memory_space<hbm>>, %arg3: memref<1000000x64xf32, #tpu.memory_space<hbm>>, %arg4: memref<512x64xf32, #tpu.memory_space<hbm>>, %arg5: memref<819200x64xf32, #tpu.memory_space<hbm>>, %arg6: memref<25600xi32, #tpu.memory_space<vmem>>, %arg7: memref<200x64xf32, #tpu.memory_space<vmem>>, %arg8: memref<200x64xf32, #tpu.memory_space<vmem>>, %arg9: memref<200x64xf32, #tpu.memory_space<vmem>>, %arg10: memref<200x64xf32, #tpu.memory_space<vmem>>, %arg11: memref<200x64xf32, #tpu.memory_space<vmem>>, %arg12: memref<!tpu.dma_semaphore, #tpu.memory_space<semaphore_mem>>, %arg13: memref<!tpu.dma_semaphore, #tpu.memory_space<semaphore_mem>>, %arg14: memref<!tpu.dma_semaphore, #tpu.memory_space<semaphore_mem>>, %arg15: memref<!tpu.dma_semaphore, #tpu.memory_space<semaphore_mem>>, %arg16: memref<!tpu.dma_semaphore, #tpu.memory_space<semaphore_mem>>, %arg17: memref<!tpu.dma_semaphore, #tpu.memory_space<semaphore_mem>>, %arg18: memref<!tpu.dma_semaphore, #tpu.memory_space<semaphore_mem>>, %arg19: memref<!tpu.dma_semaphore, #tpu.memory_space<semaphore_mem>>) attributes {dimension_semantics = [#tpu.dimension_semantics<core_parallel>, #tpu.dimension_semantics<subcore_parallel>], iteration_bounds = array<i64: 2, 16>, scalar_prefetch = 0 : i64, scratch_operands = 14 : i64, tpu.core_type = #tpu.core_type<sc_vector_subcore>, window_params = [{transform_indices = #map}, {transform_indices = #map1}, {transform_indices = #map1}, {transform_indices = #map1}]} {
    %mul3A = arith.constant 2 : i32
    %mul3A_0 = arith.muli %arg1, %mul3A : i32
    %add3A = arith.addi %mul3A_0, %arg0 : i32
    %mul3A_1 = arith.constant 25600 : i32
    %mul3A_2 = arith.muli %add3A, %mul3A_1 : i32
    "tpu.region"() ({
      %run_scoped3A = tpu.sem_alloc : memref<!tpu.dma_semaphore, #tpu.memory_space<semaphore_mem>>
      %dma_start3A_32 = tpu.memref_slice %arg2[%mul3A_2] : memref<819200xi32, #tpu.memory_space<hbm>> -> memref<25600xi32, #tpu.memory_space<hbm>>
      %dma_start3A_33 = tpu.memref_slice %arg2[%mul3A_2] : memref<819200xi32, #tpu.memory_space<hbm>> -> memref<25600xi32, #tpu.memory_space<hbm>>
      tpu.enqueue_dma source(%dma_start3A_33 : memref<25600xi32, #tpu.memory_space<hbm>>) target(%arg6 : memref<25600xi32, #tpu.memory_space<vmem>>) target_semaphore(%run_scoped3A : memref<!tpu.dma_semaphore, #tpu.memory_space<semaphore_mem>>)
      %dma_wait3A_34 = tpu.memref_slice %arg2[%mul3A_2] : memref<819200xi32, #tpu.memory_space<hbm>> -> memref<25600xi32, #tpu.memory_space<hbm>>
      %dma_wait3A_35 = tpu.memref_slice %arg2[%mul3A_2] : memref<819200xi32, #tpu.memory_space<hbm>> -> memref<25600xi32, #tpu.memory_space<hbm>>
      tpu.wait_dma2 semaphore(%run_scoped3A : memref<!tpu.dma_semaphore, #tpu.memory_space<semaphore_mem>>) src(%dma_wait3A_35 : memref<25600xi32, #tpu.memory_space<hbm>>) dst(%arg6 : memref<25600xi32, #tpu.memory_space<vmem>>)
      tpu.yield
    }) : () -> ()
    "tpu.region"() ({
      %run_scoped3A = tpu.sem_alloc : memref<!tpu.dma_semaphore, #tpu.memory_space<semaphore_mem>>
      %dma_start3A_32 = arith.constant 0 : i32
      %dma_start3A_33 = arith.constant 0 : i32
      %dma_start3A_34 = tpu.memref_slice %arg4[%dma_start3A_32, %dma_start3A_33] : memref<512x64xf32, #tpu.memory_space<hbm>> -> memref<200x64xf32, #tpu.memory_space<hbm>>
      %dma_start3A_35 = arith.constant 0 : i32
      %dma_start3A_36 = arith.constant 0 : i32
      %dma_start3A_37 = tpu.memref_slice %arg4[%dma_start3A_35, %dma_start3A_36] : memref<512x64xf32, #tpu.memory_space<hbm>> -> memref<200x64xf32, #tpu.memory_space<hbm>>
      tpu.enqueue_dma source(%dma_start3A_37 : memref<200x64xf32, #tpu.memory_space<hbm>>) target(%arg7 : memref<200x64xf32, #tpu.memory_space<vmem>>) target_semaphore(%run_scoped3A : memref<!tpu.dma_semaphore, #tpu.memory_space<semaphore_mem>>)
      %dma_wait3A_38 = arith.constant 0 : i32
      %dma_wait3A_39 = arith.constant 0 : i32
      %dma_wait3A_40 = tpu.memref_slice %arg4[%dma_wait3A_38, %dma_wait3A_39] : memref<512x64xf32, #tpu.memory_space<hbm>> -> memref<200x64xf32, #tpu.memory_space<hbm>>
      %dma_wait3A_41 = arith.constant 0 : i32
      %dma_wait3A_42 = arith.constant 0 : i32
      %dma_wait3A_43 = tpu.memref_slice %arg4[%dma_wait3A_41, %dma_wait3A_42] : memref<512x64xf32, #tpu.memory_space<hbm>> -> memref<200x64xf32, #tpu.memory_space<hbm>>
      tpu.wait_dma2 semaphore(%run_scoped3A : memref<!tpu.dma_semaphore, #tpu.memory_space<semaphore_mem>>) src(%dma_wait3A_43 : memref<200x64xf32, #tpu.memory_space<hbm>>) dst(%arg7 : memref<200x64xf32, #tpu.memory_space<vmem>>)
      tpu.yield
    }) : () -> ()
    %dma_start3A = arith.constant 0 : i32
    %dma_start3A_3 = tpu.memref_slice %arg6[%dma_start3A] : memref<25600xi32, #tpu.memory_space<vmem>> -> memref<200xi32, #tpu.memory_space<vmem>>
    %dma_start3A_4 = arith.constant 0 : i32
    %dma_start3A_5 = arith.constant 0 : i32
    %dma_start3A_6 = tpu.memref_slice %arg3[%dma_start3A_4, %dma_start3A_5] : memref<1000000x64xf32, #tpu.memory_space<hbm>> -> memref<1000000x64xf32, #tpu.memory_space<hbm>>
    tpu.enqueue_indirect_dma source(%dma_start3A_6 : memref<1000000x64xf32, #tpu.memory_space<hbm>>) target(%arg8 : memref<200x64xf32, #tpu.memory_space<vmem>>) offsets(%dma_start3A_3 : memref<200xi32, #tpu.memory_space<vmem>>) semaphore(%arg12 : memref<!tpu.dma_semaphore, #tpu.memory_space<semaphore_mem>>)
    %dma_start3A_7 = arith.constant 200 : i32
    %dma_start3A_8 = tpu.memref_slice %arg6[%dma_start3A_7] : memref<25600xi32, #tpu.memory_space<vmem>> -> memref<200xi32, #tpu.memory_space<vmem>>
    %dma_start3A_9 = arith.constant 0 : i32
    %dma_start3A_10 = arith.constant 0 : i32
    %dma_start3A_11 = tpu.memref_slice %arg3[%dma_start3A_9, %dma_start3A_10] : memref<1000000x64xf32, #tpu.memory_space<hbm>> -> memref<1000000x64xf32, #tpu.memory_space<hbm>>
    tpu.enqueue_indirect_dma source(%dma_start3A_11 : memref<1000000x64xf32, #tpu.memory_space<hbm>>) target(%arg9 : memref<200x64xf32, #tpu.memory_space<vmem>>) offsets(%dma_start3A_8 : memref<200xi32, #tpu.memory_space<vmem>>) semaphore(%arg13 : memref<!tpu.dma_semaphore, #tpu.memory_space<semaphore_mem>>)
    %scan3A = arith.constant 0 : i32
    %scan3A_12 = arith.constant 0 : i32
    %scan3A_13 = arith.constant 32 : i32
    %scan3A_14 = arith.addi %scan3A_12, %scan3A_13 : i32
    %scan3A_15 = arith.constant 1 : i32
    scf.for %scan3A_32 = %scan3A_12 to %scan3A_14 step %scan3A_15  : i32 {
      %mul3A_33 = arith.constant 4 : i32
      %mul3A_34 = arith.muli %scan3A_32, %mul3A_33 : i32
      %add3A_35 = arith.constant 0 : i32
      %add3A_36 = arith.addi %mul3A_34, %add3A_35 : i32
      %add3A_37 = arith.constant 2 : i32
      %add3A_38 = arith.addi %add3A_36, %add3A_37 : i32
      %lt3A = arith.constant 128 : i32
      %lt3A_39 = arith.cmpi slt, %add3A_38, %lt3A : i32
      %convert_element_type3A = arith.extui %lt3A_39 : i1 to i32
      %cond3A = arith.constant 0 : i32
      %cond3A_40 = arith.cmpi ne, %convert_element_type3A, %cond3A : i32
      scf.if %cond3A_40 {
        %ge3A = arith.constant 2 : i32
        %ge3A_146 = arith.cmpi sge, %add3A_36, %ge3A : i32
        %convert_element_type3A_147 = arith.extui %ge3A_146 : i1 to i32
        %cond3A_148 = arith.constant 0 : i32
        %cond3A_149 = arith.cmpi ne, %convert_element_type3A_147, %cond3A_148 : i32
        scf.if %cond3A_149 {
          %dma_wait3A_158 = arith.constant 0 : i32
          %dma_wait3A_159 = tpu.memref_slice %arg5[%mul3A_2, %dma_wait3A_158] : memref<819200x64xf32, #tpu.memory_space<hbm>> -> memref<200x64xf32, #tpu.memory_space<hbm>>
          %dma_wait3A_160 = arith.constant 0 : i32
          %dma_wait3A_161 = tpu.memref_slice %arg5[%mul3A_2, %dma_wait3A_160] : memref<819200x64xf32, #tpu.memory_space<hbm>> -> memref<200x64xf32, #tpu.memory_space<hbm>>
          tpu.wait_dma2 semaphore(%arg18 : memref<!tpu.dma_semaphore, #tpu.memory_space<semaphore_mem>>) src(%arg10 : memref<200x64xf32, #tpu.memory_space<vmem>>) dst(%dma_wait3A_161 : memref<200x64xf32, #tpu.memory_space<hbm>>)
        } else {
        }
        %add3A_150 = arith.constant 2 : i32
        %add3A_151 = arith.addi %add3A_36, %add3A_150 : i32
        %mul3A_152 = arith.constant 200 : i32
        %mul3A_153 = arith.muli %add3A_151, %mul3A_152 : i32
        %dma_start3A_154 = tpu.memref_slice %arg6[%mul3A_153] : memref<25600xi32, #tpu.memory_space<vmem>> -> memref<200xi32, #tpu.memory_space<vmem>>
        %dma_start3A_155 = arith.constant 0 : i32
        %dma_start3A_156 = arith.constant 0 : i32
        %dma_start3A_157 = tpu.memref_slice %arg3[%dma_start3A_155, %dma_start3A_156] : memref<1000000x64xf32, #tpu.memory_space<hbm>> -> memref<1000000x64xf32, #tpu.memory_space<hbm>>
        tpu.enqueue_indirect_dma source(%dma_start3A_157 : memref<1000000x64xf32, #tpu.memory_space<hbm>>) target(%arg10 : memref<200x64xf32, #tpu.memory_space<vmem>>) offsets(%dma_start3A_154 : memref<200xi32, #tpu.memory_space<vmem>>) semaphore(%arg14 : memref<!tpu.dma_semaphore, #tpu.memory_space<semaphore_mem>>)
      } else {
      }
      %dma_wait3A_41 = arith.constant 0 : i32
      %dma_wait3A_42 = tpu.memref_slice %arg6[%dma_wait3A_41] : memref<25600xi32, #tpu.memory_space<vmem>> -> memref<200xi32, #tpu.memory_space<vmem>>
      %dma_wait3A_43 = arith.constant 0 : i32
      %dma_wait3A_44 = arith.constant 0 : i32
      %dma_wait3A_45 = tpu.memref_slice %arg3[%dma_wait3A_43, %dma_wait3A_44] : memref<1000000x64xf32, #tpu.memory_space<hbm>> -> memref<1000000x64xf32, #tpu.memory_space<hbm>>
      tpu.wait_indirect_dma semaphore(%arg12 : memref<!tpu.dma_semaphore, #tpu.memory_space<semaphore_mem>>) src(%dma_wait3A_45 : memref<1000000x64xf32, #tpu.memory_space<hbm>>) dst(%arg8 : memref<200x64xf32, #tpu.memory_space<vmem>>)
      %scan3A_46 = arith.constant 0 : i32
      %scan3A_47 = arith.constant 0 : i32
      %scan3A_48 = arith.constant 200 : i32
      %scan3A_49 = arith.addi %scan3A_47, %scan3A_48 : i32
      %scan3A_50 = arith.constant 1 : i32
      scf.for %scan3A_146 = %scan3A_47 to %scan3A_49 step %scan3A_50  : i32 {
        %get3A = arith.index_cast %scan3A_146 : i32 to index
        %get3A_147 = arith.constant 0 : index
        %get3A_148 = tpu.vector_load %arg8[%get3A, %get3A_147] {strides = array<i32>} : memref<200x64xf32, #tpu.memory_space<vmem>>, vector<1x16xf32>,
        %get3A_149 = vector.shape_cast %get3A_148 : vector<1x16xf32> to vector<16xf32>
        %get3A_150 = arith.index_cast %scan3A_146 : i32 to index
        %get3A_151 = arith.constant 0 : index
        %get3A_152 = tpu.vector_load %arg7[%get3A_150, %get3A_151] {strides = array<i32>} : memref<200x64xf32, #tpu.memory_space<vmem>>, vector<1x16xf32>,
        %get3A_153 = vector.shape_cast %get3A_152 : vector<1x16xf32> to vector<16xf32>
        %add3A_154 = arith.addf %get3A_149, %get3A_153 : vector<16xf32>
        %swap3A = arith.index_cast %scan3A_146 : i32 to index
        %swap3A_155 = arith.constant 0 : index
        %swap3A_156 = tpu.vector_load %arg8[%swap3A, %swap3A_155] {strides = array<i32>} : memref<200x64xf32, #tpu.memory_space<vmem>>, vector<1x16xf32>,
        %swap3A_157 = vector.shape_cast %swap3A_156 : vector<1x16xf32> to vector<16xf32>
        %swap3A_158 = vector.shape_cast %add3A_154 : vector<16xf32> to vector<1x16xf32>
        tpu.vector_store %arg8[%swap3A, %swap3A_155], %swap3A_158 {strides = array<i32>} : memref<200x64xf32, #tpu.memory_space<vmem>>, vector<1x16xf32>,
        %get3A_159 = arith.index_cast %scan3A_146 : i32 to index
        %get3A_160 = arith.constant 16 : index
        %get3A_161 = tpu.vector_load %arg8[%get3A_159, %get3A_160] {strides = array<i32>} : memref<200x64xf32, #tpu.memory_space<vmem>>, vector<1x16xf32>,
        %get3A_162 = vector.shape_cast %get3A_161 : vector<1x16xf32> to vector<16xf32>
        %get3A_163 = arith.index_cast %scan3A_146 : i32 to index
        %get3A_164 = arith.constant 16 : index
        %get3A_165 = tpu.vector_load %arg7[%get3A_163, %get3A_164] {strides = array<i32>} : memref<200x64xf32, #tpu.memory_space<vmem>>, vector<1x16xf32>,
        %get3A_166 = vector.shape_cast %get3A_165 : vector<1x16xf32> to vector<16xf32>
        %add3A_167 = arith.addf %get3A_162, %get3A_166 : vector<16xf32>
        %swap3A_168 = arith.index_cast %scan3A_146 : i32 to index
        %swap3A_169 = arith.constant 16 : index
        %swap3A_170 = tpu.vector_load %arg8[%swap3A_168, %swap3A_169] {strides = array<i32>} : memref<200x64xf32, #tpu.memory_space<vmem>>, vector<1x16xf32>,
        %swap3A_171 = vector.shape_cast %swap3A_170 : vector<1x16xf32> to vector<16xf32>
        %swap3A_172 = vector.shape_cast %add3A_167 : vector<16xf32> to vector<1x16xf32>
        tpu.vector_store %arg8[%swap3A_168, %swap3A_169], %swap3A_172 {strides = array<i32>} : memref<200x64xf32, #tpu.memory_space<vmem>>, vector<1x16xf32>,
        %get3A_173 = arith.index_cast %scan3A_146 : i32 to index
        %get3A_174 = arith.constant 32 : index
        %get3A_175 = tpu.vector_load %arg8[%get3A_173, %get3A_174] {strides = array<i32>} : memref<200x64xf32, #tpu.memory_space<vmem>>, vector<1x16xf32>,
        %get3A_176 = vector.shape_cast %get3A_175 : vector<1x16xf32> to vector<16xf32>
        %get3A_177 = arith.index_cast %scan3A_146 : i32 to index
        %get3A_178 = arith.constant 32 : index
        %get3A_179 = tpu.vector_load %arg7[%get3A_177, %get3A_178] {strides = array<i32>} : memref<200x64xf32, #tpu.memory_space<vmem>>, vector<1x16xf32>,
        %get3A_180 = vector.shape_cast %get3A_179 : vector<1x16xf32> to vector<16xf32>
        %add3A_181 = arith.addf %get3A_176, %get3A_180 : vector<16xf32>
        %swap3A_182 = arith.index_cast %scan3A_146 : i32 to index
        %swap3A_183 = arith.constant 32 : index
        %swap3A_184 = tpu.vector_load %arg8[%swap3A_182, %swap3A_183] {strides = array<i32>} : memref<200x64xf32, #tpu.memory_space<vmem>>, vector<1x16xf32>,
        %swap3A_185 = vector.shape_cast %swap3A_184 : vector<1x16xf32> to vector<16xf32>
        %swap3A_186 = vector.shape_cast %add3A_181 : vector<16xf32> to vector<1x16xf32>
        tpu.vector_store %arg8[%swap3A_182, %swap3A_183], %swap3A_186 {strides = array<i32>} : memref<200x64xf32, #tpu.memory_space<vmem>>, vector<1x16xf32>,
        %get3A_187 = arith.index_cast %scan3A_146 : i32 to index
        %get3A_188 = arith.constant 48 : index
        %get3A_189 = tpu.vector_load %arg8[%get3A_187, %get3A_188] {strides = array<i32>} : memref<200x64xf32, #tpu.memory_space<vmem>>, vector<1x16xf32>,
        %get3A_190 = vector.shape_cast %get3A_189 : vector<1x16xf32> to vector<16xf32>
        %get3A_191 = arith.index_cast %scan3A_146 : i32 to index
        %get3A_192 = arith.constant 48 : index
        %get3A_193 = tpu.vector_load %arg7[%get3A_191, %get3A_192] {strides = array<i32>} : memref<200x64xf32, #tpu.memory_space<vmem>>, vector<1x16xf32>,
        %get3A_194 = vector.shape_cast %get3A_193 : vector<1x16xf32> to vector<16xf32>
        %add3A_195 = arith.addf %get3A_190, %get3A_194 : vector<16xf32>
        %swap3A_196 = arith.index_cast %scan3A_146 : i32 to index
        %swap3A_197 = arith.constant 48 : index
        %swap3A_198 = tpu.vector_load %arg8[%swap3A_196, %swap3A_197] {strides = array<i32>} : memref<200x64xf32, #tpu.memory_space<vmem>>, vector<1x16xf32>,
        %swap3A_199 = vector.shape_cast %swap3A_198 : vector<1x16xf32> to vector<16xf32>
        %swap3A_200 = vector.shape_cast %add3A_195 : vector<16xf32> to vector<1x16xf32>
        tpu.vector_store %arg8[%swap3A_196, %swap3A_197], %swap3A_200 {strides = array<i32>} : memref<200x64xf32, #tpu.memory_space<vmem>>, vector<1x16xf32>,
      }
      %scan3A_51 = arith.constant 200 : i32
      %mul3A_52 = arith.constant 200 : i32
      %mul3A_53 = arith.muli %add3A_36, %mul3A_52 : i32
      %add3A_54 = arith.addi %mul3A_2, %mul3A_53 : i32
      %dma_start3A_55 = arith.constant 0 : i32
      %dma_start3A_56 = tpu.memref_slice %arg5[%add3A_54, %dma_start3A_55] : memref<819200x64xf32, #tpu.memory_space<hbm>> -> memref<200x64xf32, #tpu.memory_space<hbm>>
      %dma_start3A_57 = arith.constant 0 : i32
      %dma_start3A_58 = tpu.memref_slice %arg5[%add3A_54, %dma_start3A_57] : memref<819200x64xf32, #tpu.memory_space<hbm>> -> memref<200x64xf32, #tpu.memory_space<hbm>>
      tpu.enqueue_dma source(%arg8 : memref<200x64xf32, #tpu.memory_space<vmem>>) target(%dma_start3A_58 : memref<200x64xf32, #tpu.memory_space<hbm>>) target_semaphore(%arg16 : memref<!tpu.dma_semaphore, #tpu.memory_space<semaphore_mem>>)
      %mul3A_59 = arith.constant 4 : i32
      %mul3A_60 = arith.muli %scan3A_32, %mul3A_59 : i32
      %add3A_61 = arith.constant 1 : i32
      %add3A_62 = arith.addi %mul3A_60, %add3A_61 : i32
      %add3A_63 = arith.constant 2 : i32
      %add3A_64 = arith.addi %add3A_62, %add3A_63 : i32
      %lt3A_65 = arith.constant 128 : i32
      %lt3A_66 = arith.cmpi slt, %add3A_64, %lt3A_65 : i32
      %convert_element_type3A_67 = arith.extui %lt3A_66 : i1 to i32
      %cond3A_68 = arith.constant 0 : i32
      %cond3A_69 = arith.cmpi ne, %convert_element_type3A_67, %cond3A_68 : i32
      scf.if %cond3A_69 {
        %ge3A = arith.constant 2 : i32
        %ge3A_146 = arith.cmpi sge, %add3A_62, %ge3A : i32
        %convert_element_type3A_147 = arith.extui %ge3A_146 : i1 to i32
        %cond3A_148 = arith.constant 0 : i32
        %cond3A_149 = arith.cmpi ne, %convert_element_type3A_147, %cond3A_148 : i32
        scf.if %cond3A_149 {
          %dma_wait3A_158 = arith.constant 0 : i32
          %dma_wait3A_159 = tpu.memref_slice %arg5[%mul3A_2, %dma_wait3A_158] : memref<819200x64xf32, #tpu.memory_space<hbm>> -> memref<200x64xf32, #tpu.memory_space<hbm>>
          %dma_wait3A_160 = arith.constant 0 : i32
          %dma_wait3A_161 = tpu.memref_slice %arg5[%mul3A_2, %dma_wait3A_160] : memref<819200x64xf32, #tpu.memory_space<hbm>> -> memref<200x64xf32, #tpu.memory_space<hbm>>
          tpu.wait_dma2 semaphore(%arg19 : memref<!tpu.dma_semaphore, #tpu.memory_space<semaphore_mem>>) src(%arg11 : memref<200x64xf32, #tpu.memory_space<vmem>>) dst(%dma_wait3A_161 : memref<200x64xf32, #tpu.memory_space<hbm>>)
        } else {
        }
        %add3A_150 = arith.constant 2 : i32
        %add3A_151 = arith.addi %add3A_62, %add3A_150 : i32
        %mul3A_152 = arith.constant 200 : i32
        %mul3A_153 = arith.muli %add3A_151, %mul3A_152 : i32
        %dma_start3A_154 = tpu.memref_slice %arg6[%mul3A_153] : memref<25600xi32, #tpu.memory_space<vmem>> -> memref<200xi32, #tpu.memory_space<vmem>>
        %dma_start3A_155 = arith.constant 0 : i32
        %dma_start3A_156 = arith.constant 0 : i32
        %dma_start3A_157 = tpu.memref_slice %arg3[%dma_start3A_155, %dma_start3A_156] : memref<1000000x64xf32, #tpu.memory_space<hbm>> -> memref<1000000x64xf32, #tpu.memory_space<hbm>>
        tpu.enqueue_indirect_dma source(%dma_start3A_157 : memref<1000000x64xf32, #tpu.memory_space<hbm>>) target(%arg11 : memref<200x64xf32, #tpu.memory_space<vmem>>) offsets(%dma_start3A_154 : memref<200xi32, #tpu.memory_space<vmem>>) semaphore(%arg15 : memref<!tpu.dma_semaphore, #tpu.memory_space<semaphore_mem>>)
      } else {
      }
      %dma_wait3A_70 = arith.constant 0 : i32
      %dma_wait3A_71 = tpu.memref_slice %arg6[%dma_wait3A_70] : memref<25600xi32, #tpu.memory_space<vmem>> -> memref<200xi32, #tpu.memory_space<vmem>>
      %dma_wait3A_72 = arith.constant 0 : i32
      %dma_wait3A_73 = arith.constant 0 : i32
      %dma_wait3A_74 = tpu.memref_slice %arg3[%dma_wait3A_72, %dma_wait3A_73] : memref<1000000x64xf32, #tpu.memory_space<hbm>> -> memref<1000000x64xf32, #tpu.memory_space<hbm>>
      tpu.wait_indirect_dma semaphore(%arg13 : memref<!tpu.dma_semaphore, #tpu.memory_space<semaphore_mem>>) src(%dma_wait3A_74 : memref<1000000x64xf32, #tpu.memory_space<hbm>>) dst(%arg9 : memref<200x64xf32, #tpu.memory_space<vmem>>)
      %scan3A_75 = arith.constant 0 : i32
      %scan3A_76 = arith.constant 0 : i32
      %scan3A_77 = arith.constant 200 : i32
      %scan3A_78 = arith.addi %scan3A_76, %scan3A_77 : i32
      %scan3A_79 = arith.constant 1 : i32
      scf.for %scan3A_146 = %scan3A_76 to %scan3A_78 step %scan3A_79  : i32 {
        %get3A = arith.index_cast %scan3A_146 : i32 to index
        %get3A_147 = arith.constant 0 : index
        %get3A_148 = tpu.vector_load %arg9[%get3A, %get3A_147] {strides = array<i32>} : memref<200x64xf32, #tpu.memory_space<vmem>>, vector<1x16xf32>,
        %get3A_149 = vector.shape_cast %get3A_148 : vector<1x16xf32> to vector<16xf32>
        %get3A_150 = arith.index_cast %scan3A_146 : i32 to index
        %get3A_151 = arith.constant 0 : index
        %get3A_152 = tpu.vector_load %arg7[%get3A_150, %get3A_151] {strides = array<i32>} : memref<200x64xf32, #tpu.memory_space<vmem>>, vector<1x16xf32>,
        %get3A_153 = vector.shape_cast %get3A_152 : vector<1x16xf32> to vector<16xf32>
        %add3A_154 = arith.addf %get3A_149, %get3A_153 : vector<16xf32>
        %swap3A = arith.index_cast %scan3A_146 : i32 to index
        %swap3A_155 = arith.constant 0 : index
        %swap3A_156 = tpu.vector_load %arg9[%swap3A, %swap3A_155] {strides = array<i32>} : memref<200x64xf32, #tpu.memory_space<vmem>>, vector<1x16xf32>,
        %swap3A_157 = vector.shape_cast %swap3A_156 : vector<1x16xf32> to vector<16xf32>
        %swap3A_158 = vector.shape_cast %add3A_154 : vector<16xf32> to vector<1x16xf32>
        tpu.vector_store %arg9[%swap3A, %swap3A_155], %swap3A_158 {strides = array<i32>} : memref<200x64xf32, #tpu.memory_space<vmem>>, vector<1x16xf32>,
        %get3A_159 = arith.index_cast %scan3A_146 : i32 to index
        %get3A_160 = arith.constant 16 : index
        %get3A_161 = tpu.vector_load %arg9[%get3A_159, %get3A_160] {strides = array<i32>} : memref<200x64xf32, #tpu.memory_space<vmem>>, vector<1x16xf32>,
        %get3A_162 = vector.shape_cast %get3A_161 : vector<1x16xf32> to vector<16xf32>
        %get3A_163 = arith.index_cast %scan3A_146 : i32 to index
        %get3A_164 = arith.constant 16 : index
        %get3A_165 = tpu.vector_load %arg7[%get3A_163, %get3A_164] {strides = array<i32>} : memref<200x64xf32, #tpu.memory_space<vmem>>, vector<1x16xf32>,
        %get3A_166 = vector.shape_cast %get3A_165 : vector<1x16xf32> to vector<16xf32>
        %add3A_167 = arith.addf %get3A_162, %get3A_166 : vector<16xf32>
        %swap3A_168 = arith.index_cast %scan3A_146 : i32 to index
        %swap3A_169 = arith.constant 16 : index
        %swap3A_170 = tpu.vector_load %arg9[%swap3A_168, %swap3A_169] {strides = array<i32>} : memref<200x64xf32, #tpu.memory_space<vmem>>, vector<1x16xf32>,
        %swap3A_171 = vector.shape_cast %swap3A_170 : vector<1x16xf32> to vector<16xf32>
        %swap3A_172 = vector.shape_cast %add3A_167 : vector<16xf32> to vector<1x16xf32>
        tpu.vector_store %arg9[%swap3A_168, %swap3A_169], %swap3A_172 {strides = array<i32>} : memref<200x64xf32, #tpu.memory_space<vmem>>, vector<1x16xf32>,
        %get3A_173 = arith.index_cast %scan3A_146 : i32 to index
        %get3A_174 = arith.constant 32 : index
        %get3A_175 = tpu.vector_load %arg9[%get3A_173, %get3A_174] {strides = array<i32>} : memref<200x64xf32, #tpu.memory_space<vmem>>, vector<1x16xf32>,
        %get3A_176 = vector.shape_cast %get3A_175 : vector<1x16xf32> to vector<16xf32>
        %get3A_177 = arith.index_cast %scan3A_146 : i32 to index
        %get3A_178 = arith.constant 32 : index
        %get3A_179 = tpu.vector_load %arg7[%get3A_177, %get3A_178] {strides = array<i32>} : memref<200x64xf32, #tpu.memory_space<vmem>>, vector<1x16xf32>,
        %get3A_180 = vector.shape_cast %get3A_179 : vector<1x16xf32> to vector<16xf32>
        %add3A_181 = arith.addf %get3A_176, %get3A_180 : vector<16xf32>
        %swap3A_182 = arith.index_cast %scan3A_146 : i32 to index
        %swap3A_183 = arith.constant 32 : index
        %swap3A_184 = tpu.vector_load %arg9[%swap3A_182, %swap3A_183] {strides = array<i32>} : memref<200x64xf32, #tpu.memory_space<vmem>>, vector<1x16xf32>,
        %swap3A_185 = vector.shape_cast %swap3A_184 : vector<1x16xf32> to vector<16xf32>
        %swap3A_186 = vector.shape_cast %add3A_181 : vector<16xf32> to vector<1x16xf32>
        tpu.vector_store %arg9[%swap3A_182, %swap3A_183], %swap3A_186 {strides = array<i32>} : memref<200x64xf32, #tpu.memory_space<vmem>>, vector<1x16xf32>,
        %get3A_187 = arith.index_cast %scan3A_146 : i32 to index
        %get3A_188 = arith.constant 48 : index
        %get3A_189 = tpu.vector_load %arg9[%get3A_187, %get3A_188] {strides = array<i32>} : memref<200x64xf32, #tpu.memory_space<vmem>>, vector<1x16xf32>,
        %get3A_190 = vector.shape_cast %get3A_189 : vector<1x16xf32> to vector<16xf32>
        %get3A_191 = arith.index_cast %scan3A_146 : i32 to index
        %get3A_192 = arith.constant 48 : index
        %get3A_193 = tpu.vector_load %arg7[%get3A_191, %get3A_192] {strides = array<i32>} : memref<200x64xf32, #tpu.memory_space<vmem>>, vector<1x16xf32>,
        %get3A_194 = vector.shape_cast %get3A_193 : vector<1x16xf32> to vector<16xf32>
        %add3A_195 = arith.addf %get3A_190, %get3A_194 : vector<16xf32>
        %swap3A_196 = arith.index_cast %scan3A_146 : i32 to index
        %swap3A_197 = arith.constant 48 : index
        %swap3A_198 = tpu.vector_load %arg9[%swap3A_196, %swap3A_197] {strides = array<i32>} : memref<200x64xf32, #tpu.memory_space<vmem>>, vector<1x16xf32>,
        %swap3A_199 = vector.shape_cast %swap3A_198 : vector<1x16xf32> to vector<16xf32>
        %swap3A_200 = vector.shape_cast %add3A_195 : vector<16xf32> to vector<1x16xf32>
        tpu.vector_store %arg9[%swap3A_196, %swap3A_197], %swap3A_200 {strides = array<i32>} : memref<200x64xf32, #tpu.memory_space<vmem>>, vector<1x16xf32>,
      }
      %scan3A_80 = arith.constant 200 : i32
      %mul3A_81 = arith.constant 200 : i32
      %mul3A_82 = arith.muli %add3A_62, %mul3A_81 : i32
      %add3A_83 = arith.addi %mul3A_2, %mul3A_82 : i32
      %dma_start3A_84 = arith.constant 0 : i32
      %dma_start3A_85 = tpu.memref_slice %arg5[%add3A_83, %dma_start3A_84] : memref<819200x64xf32, #tpu.memory_space<hbm>> -> memref<200x64xf32, #tpu.memory_space<hbm>>
      %dma_start3A_86 = arith.constant 0 : i32
      %dma_start3A_87 = tpu.memref_slice %arg5[%add3A_83, %dma_start3A_86] : memref<819200x64xf32, #tpu.memory_space<hbm>> -> memref<200x64xf32, #tpu.memory_space<hbm>>
      tpu.enqueue_dma source(%arg9 : memref<200x64xf32, #tpu.memory_space<vmem>>) target(%dma_start3A_87 : memref<200x64xf32, #tpu.memory_space<hbm>>) target_semaphore(%arg17 : memref<!tpu.dma_semaphore, #tpu.memory_space<semaphore_mem>>)
      %mul3A_88 = arith.constant 4 : i32
      %mul3A_89 = arith.muli %scan3A_32, %mul3A_88 : i32
      %add3A_90 = arith.constant 2 : i32
      %add3A_91 = arith.addi %mul3A_89, %add3A_90 : i32
      %add3A_92 = arith.constant 2 : i32
      %add3A_93 = arith.addi %add3A_91, %add3A_92 : i32
      %lt3A_94 = arith.constant 128 : i32
      %lt3A_95 = arith.cmpi slt, %add3A_93, %lt3A_94 : i32
      %convert_element_type3A_96 = arith.extui %lt3A_95 : i1 to i32
      %cond3A_97 = arith.constant 0 : i32
      %cond3A_98 = arith.cmpi ne, %convert_element_type3A_96, %cond3A_97 : i32
      scf.if %cond3A_98 {
        %ge3A = arith.constant 2 : i32
        %ge3A_146 = arith.cmpi sge, %add3A_91, %ge3A : i32
        %convert_element_type3A_147 = arith.extui %ge3A_146 : i1 to i32
        %cond3A_148 = arith.constant 0 : i32
        %cond3A_149 = arith.cmpi ne, %convert_element_type3A_147, %cond3A_148 : i32
        scf.if %cond3A_149 {
          %dma_wait3A_158 = arith.constant 0 : i32
          %dma_wait3A_159 = tpu.memref_slice %arg5[%mul3A_2, %dma_wait3A_158] : memref<819200x64xf32, #tpu.memory_space<hbm>> -> memref<200x64xf32, #tpu.memory_space<hbm>>
          %dma_wait3A_160 = arith.constant 0 : i32
          %dma_wait3A_161 = tpu.memref_slice %arg5[%mul3A_2, %dma_wait3A_160] : memref<819200x64xf32, #tpu.memory_space<hbm>> -> memref<200x64xf32, #tpu.memory_space<hbm>>
          tpu.wait_dma2 semaphore(%arg16 : memref<!tpu.dma_semaphore, #tpu.memory_space<semaphore_mem>>) src(%arg8 : memref<200x64xf32, #tpu.memory_space<vmem>>) dst(%dma_wait3A_161 : memref<200x64xf32, #tpu.memory_space<hbm>>)
        } else {
        }
        %add3A_150 = arith.constant 2 : i32
        %add3A_151 = arith.addi %add3A_91, %add3A_150 : i32
        %mul3A_152 = arith.constant 200 : i32
        %mul3A_153 = arith.muli %add3A_151, %mul3A_152 : i32
        %dma_start3A_154 = tpu.memref_slice %arg6[%mul3A_153] : memref<25600xi32, #tpu.memory_space<vmem>> -> memref<200xi32, #tpu.memory_space<vmem>>
        %dma_start3A_155 = arith.constant 0 : i32
        %dma_start3A_156 = arith.constant 0 : i32
        %dma_start3A_157 = tpu.memref_slice %arg3[%dma_start3A_155, %dma_start3A_156] : memref<1000000x64xf32, #tpu.memory_space<hbm>> -> memref<1000000x64xf32, #tpu.memory_space<hbm>>
        tpu.enqueue_indirect_dma source(%dma_start3A_157 : memref<1000000x64xf32, #tpu.memory_space<hbm>>) target(%arg8 : memref<200x64xf32, #tpu.memory_space<vmem>>) offsets(%dma_start3A_154 : memref<200xi32, #tpu.memory_space<vmem>>) semaphore(%arg12 : memref<!tpu.dma_semaphore, #tpu.memory_space<semaphore_mem>>)
      } else {
      }
      %dma_wait3A_99 = arith.constant 0 : i32
      %dma_wait3A_100 = tpu.memref_slice %arg6[%dma_wait3A_99] : memref<25600xi32, #tpu.memory_space<vmem>> -> memref<200xi32, #tpu.memory_space<vmem>>
      %dma_wait3A_101 = arith.constant 0 : i32
      %dma_wait3A_102 = arith.constant 0 : i32
      %dma_wait3A_103 = tpu.memref_slice %arg3[%dma_wait3A_101, %dma_wait3A_102] : memref<1000000x64xf32, #tpu.memory_space<hbm>> -> memref<1000000x64xf32, #tpu.memory_space<hbm>>
      tpu.wait_indirect_dma semaphore(%arg14 : memref<!tpu.dma_semaphore, #tpu.memory_space<semaphore_mem>>) src(%dma_wait3A_103 : memref<1000000x64xf32, #tpu.memory_space<hbm>>) dst(%arg10 : memref<200x64xf32, #tpu.memory_space<vmem>>)
      %scan3A_104 = arith.constant 0 : i32
      %scan3A_105 = arith.constant 0 : i32
      %scan3A_106 = arith.constant 200 : i32
      %scan3A_107 = arith.addi %scan3A_105, %scan3A_106 : i32
      %scan3A_108 = arith.constant 1 : i32
      scf.for %scan3A_146 = %scan3A_105 to %scan3A_107 step %scan3A_108  : i32 {
        %get3A = arith.index_cast %scan3A_146 : i32 to index
        %get3A_147 = arith.constant 0 : index
        %get3A_148 = tpu.vector_load %arg10[%get3A, %get3A_147] {strides = array<i32>} : memref<200x64xf32, #tpu.memory_space<vmem>>, vector<1x16xf32>,
        %get3A_149 = vector.shape_cast %get3A_148 : vector<1x16xf32> to vector<16xf32>
        %get3A_150 = arith.index_cast %scan3A_146 : i32 to index
        %get3A_151 = arith.constant 0 : index
        %get3A_152 = tpu.vector_load %arg7[%get3A_150, %get3A_151] {strides = array<i32>} : memref<200x64xf32, #tpu.memory_space<vmem>>, vector<1x16xf32>,
        %get3A_153 = vector.shape_cast %get3A_152 : vector<1x16xf32> to vector<16xf32>
        %add3A_154 = arith.addf %get3A_149, %get3A_153 : vector<16xf32>
        %swap3A = arith.index_cast %scan3A_146 : i32 to index
        %swap3A_155 = arith.constant 0 : index
        %swap3A_156 = tpu.vector_load %arg10[%swap3A, %swap3A_155] {strides = array<i32>} : memref<200x64xf32, #tpu.memory_space<vmem>>, vector<1x16xf32>,
        %swap3A_157 = vector.shape_cast %swap3A_156 : vector<1x16xf32> to vector<16xf32>
        %swap3A_158 = vector.shape_cast %add3A_154 : vector<16xf32> to vector<1x16xf32>
        tpu.vector_store %arg10[%swap3A, %swap3A_155], %swap3A_158 {strides = array<i32>} : memref<200x64xf32, #tpu.memory_space<vmem>>, vector<1x16xf32>,
        %get3A_159 = arith.index_cast %scan3A_146 : i32 to index
        %get3A_160 = arith.constant 16 : index
        %get3A_161 = tpu.vector_load %arg10[%get3A_159, %get3A_160] {strides = array<i32>} : memref<200x64xf32, #tpu.memory_space<vmem>>, vector<1x16xf32>,
        %get3A_162 = vector.shape_cast %get3A_161 : vector<1x16xf32> to vector<16xf32>
        %get3A_163 = arith.index_cast %scan3A_146 : i32 to index
        %get3A_164 = arith.constant 16 : index
        %get3A_165 = tpu.vector_load %arg7[%get3A_163, %get3A_164] {strides = array<i32>} : memref<200x64xf32, #tpu.memory_space<vmem>>, vector<1x16xf32>,
        %get3A_166 = vector.shape_cast %get3A_165 : vector<1x16xf32> to vector<16xf32>
        %add3A_167 = arith.addf %get3A_162, %get3A_166 : vector<16xf32>
        %swap3A_168 = arith.index_cast %scan3A_146 : i32 to index
        %swap3A_169 = arith.constant 16 : index
        %swap3A_170 = tpu.vector_load %arg10[%swap3A_168, %swap3A_169] {strides = array<i32>} : memref<200x64xf32, #tpu.memory_space<vmem>>, vector<1x16xf32>,
        %swap3A_171 = vector.shape_cast %swap3A_170 : vector<1x16xf32> to vector<16xf32>
        %swap3A_172 = vector.shape_cast %add3A_167 : vector<16xf32> to vector<1x16xf32>
        tpu.vector_store %arg10[%swap3A_168, %swap3A_169], %swap3A_172 {strides = array<i32>} : memref<200x64xf32, #tpu.memory_space<vmem>>, vector<1x16xf32>,
        %get3A_173 = arith.index_cast %scan3A_146 : i32 to index
        %get3A_174 = arith.constant 32 : index
        %get3A_175 = tpu.vector_load %arg10[%get3A_173, %get3A_174] {strides = array<i32>} : memref<200x64xf32, #tpu.memory_space<vmem>>, vector<1x16xf32>,
        %get3A_176 = vector.shape_cast %get3A_175 : vector<1x16xf32> to vector<16xf32>
        %get3A_177 = arith.index_cast %scan3A_146 : i32 to index
        %get3A_178 = arith.constant 32 : index
        %get3A_179 = tpu.vector_load %arg7[%get3A_177, %get3A_178] {strides = array<i32>} : memref<200x64xf32, #tpu.memory_space<vmem>>, vector<1x16xf32>,
        %get3A_180 = vector.shape_cast %get3A_179 : vector<1x16xf32> to vector<16xf32>
        %add3A_181 = arith.addf %get3A_176, %get3A_180 : vector<16xf32>
        %swap3A_182 = arith.index_cast %scan3A_146 : i32 to index
        %swap3A_183 = arith.constant 32 : index
        %swap3A_184 = tpu.vector_load %arg10[%swap3A_182, %swap3A_183] {strides = array<i32>} : memref<200x64xf32, #tpu.memory_space<vmem>>, vector<1x16xf32>,
        %swap3A_185 = vector.shape_cast %swap3A_184 : vector<1x16xf32> to vector<16xf32>
        %swap3A_186 = vector.shape_cast %add3A_181 : vector<16xf32> to vector<1x16xf32>
        tpu.vector_store %arg10[%swap3A_182, %swap3A_183], %swap3A_186 {strides = array<i32>} : memref<200x64xf32, #tpu.memory_space<vmem>>, vector<1x16xf32>,
        %get3A_187 = arith.index_cast %scan3A_146 : i32 to index
        %get3A_188 = arith.constant 48 : index
        %get3A_189 = tpu.vector_load %arg10[%get3A_187, %get3A_188] {strides = array<i32>} : memref<200x64xf32, #tpu.memory_space<vmem>>, vector<1x16xf32>,
        %get3A_190 = vector.shape_cast %get3A_189 : vector<1x16xf32> to vector<16xf32>
        %get3A_191 = arith.index_cast %scan3A_146 : i32 to index
        %get3A_192 = arith.constant 48 : index
        %get3A_193 = tpu.vector_load %arg7[%get3A_191, %get3A_192] {strides = array<i32>} : memref<200x64xf32, #tpu.memory_space<vmem>>, vector<1x16xf32>,
        %get3A_194 = vector.shape_cast %get3A_193 : vector<1x16xf32> to vector<16xf32>
        %add3A_195 = arith.addf %get3A_190, %get3A_194 : vector<16xf32>
        %swap3A_196 = arith.index_cast %scan3A_146 : i32 to index
        %swap3A_197 = arith.constant 48 : index
        %swap3A_198 = tpu.vector_load %arg10[%swap3A_196, %swap3A_197] {strides = array<i32>} : memref<200x64xf32, #tpu.memory_space<vmem>>, vector<1x16xf32>,
        %swap3A_199 = vector.shape_cast %swap3A_198 : vector<1x16xf32> to vector<16xf32>
        %swap3A_200 = vector.shape_cast %add3A_195 : vector<16xf32> to vector<1x16xf32>
        tpu.vector_store %arg10[%swap3A_196, %swap3A_197], %swap3A_200 {strides = array<i32>} : memref<200x64xf32, #tpu.memory_space<vmem>>, vector<1x16xf32>,
      }
      %scan3A_109 = arith.constant 200 : i32
      %mul3A_110 = arith.constant 200 : i32
      %mul3A_111 = arith.muli %add3A_91, %mul3A_110 : i32
      %add3A_112 = arith.addi %mul3A_2, %mul3A_111 : i32
      %dma_start3A_113 = arith.constant 0 : i32
      %dma_start3A_114 = tpu.memref_slice %arg5[%add3A_112, %dma_start3A_113] : memref<819200x64xf32, #tpu.memory_space<hbm>> -> memref<200x64xf32, #tpu.memory_space<hbm>>
      %dma_start3A_115 = arith.constant 0 : i32
      %dma_start3A_116 = tpu.memref_slice %arg5[%add3A_112, %dma_start3A_115] : memref<819200x64xf32, #tpu.memory_space<hbm>> -> memref<200x64xf32, #tpu.memory_space<hbm>>
      tpu.enqueue_dma source(%arg10 : memref<200x64xf32, #tpu.memory_space<vmem>>) target(%dma_start3A_116 : memref<200x64xf32, #tpu.memory_space<hbm>>) target_semaphore(%arg18 : memref<!tpu.dma_semaphore, #tpu.memory_space<semaphore_mem>>)
      %mul3A_117 = arith.constant 4 : i32
      %mul3A_118 = arith.muli %scan3A_32, %mul3A_117 : i32
      %add3A_119 = arith.constant 3 : i32
      %add3A_120 = arith.addi %mul3A_118, %add3A_119 : i32
      %add3A_121 = arith.constant 2 : i32
      %add3A_122 = arith.addi %add3A_120, %add3A_121 : i32
      %lt3A_123 = arith.constant 128 : i32
      %lt3A_124 = arith.cmpi slt, %add3A_122, %lt3A_123 : i32
      %convert_element_type3A_125 = arith.extui %lt3A_124 : i1 to i32
      %cond3A_126 = arith.constant 0 : i32
      %cond3A_127 = arith.cmpi ne, %convert_element_type3A_125, %cond3A_126 : i32
      scf.if %cond3A_127 {
        %ge3A = arith.constant 2 : i32
        %ge3A_146 = arith.cmpi sge, %add3A_120, %ge3A : i32
        %convert_element_type3A_147 = arith.extui %ge3A_146 : i1 to i32
        %cond3A_148 = arith.constant 0 : i32
        %cond3A_149 = arith.cmpi ne, %convert_element_type3A_147, %cond3A_148 : i32
        scf.if %cond3A_149 {
          %dma_wait3A_158 = arith.constant 0 : i32
          %dma_wait3A_159 = tpu.memref_slice %arg5[%mul3A_2, %dma_wait3A_158] : memref<819200x64xf32, #tpu.memory_space<hbm>> -> memref<200x64xf32, #tpu.memory_space<hbm>>
          %dma_wait3A_160 = arith.constant 0 : i32
          %dma_wait3A_161 = tpu.memref_slice %arg5[%mul3A_2, %dma_wait3A_160] : memref<819200x64xf32, #tpu.memory_space<hbm>> -> memref<200x64xf32, #tpu.memory_space<hbm>>
          tpu.wait_dma2 semaphore(%arg17 : memref<!tpu.dma_semaphore, #tpu.memory_space<semaphore_mem>>) src(%arg9 : memref<200x64xf32, #tpu.memory_space<vmem>>) dst(%dma_wait3A_161 : memref<200x64xf32, #tpu.memory_space<hbm>>)
        } else {
        }
        %add3A_150 = arith.constant 2 : i32
        %add3A_151 = arith.addi %add3A_120, %add3A_150 : i32
        %mul3A_152 = arith.constant 200 : i32
        %mul3A_153 = arith.muli %add3A_151, %mul3A_152 : i32
        %dma_start3A_154 = tpu.memref_slice %arg6[%mul3A_153] : memref<25600xi32, #tpu.memory_space<vmem>> -> memref<200xi32, #tpu.memory_space<vmem>>
        %dma_start3A_155 = arith.constant 0 : i32
        %dma_start3A_156 = arith.constant 0 : i32
        %dma_start3A_157 = tpu.memref_slice %arg3[%dma_start3A_155, %dma_start3A_156] : memref<1000000x64xf32, #tpu.memory_space<hbm>> -> memref<1000000x64xf32, #tpu.memory_space<hbm>>
        tpu.enqueue_indirect_dma source(%dma_start3A_157 : memref<1000000x64xf32, #tpu.memory_space<hbm>>) target(%arg9 : memref<200x64xf32, #tpu.memory_space<vmem>>) offsets(%dma_start3A_154 : memref<200xi32, #tpu.memory_space<vmem>>) semaphore(%arg13 : memref<!tpu.dma_semaphore, #tpu.memory_space<semaphore_mem>>)
      } else {
      }
      %dma_wait3A_128 = arith.constant 0 : i32
      %dma_wait3A_129 = tpu.memref_slice %arg6[%dma_wait3A_128] : memref<25600xi32, #tpu.memory_space<vmem>> -> memref<200xi32, #tpu.memory_space<vmem>>
      %dma_wait3A_130 = arith.constant 0 : i32
      %dma_wait3A_131 = arith.constant 0 : i32
      %dma_wait3A_132 = tpu.memref_slice %arg3[%dma_wait3A_130, %dma_wait3A_131] : memref<1000000x64xf32, #tpu.memory_space<hbm>> -> memref<1000000x64xf32, #tpu.memory_space<hbm>>
      tpu.wait_indirect_dma semaphore(%arg15 : memref<!tpu.dma_semaphore, #tpu.memory_space<semaphore_mem>>) src(%dma_wait3A_132 : memref<1000000x64xf32, #tpu.memory_space<hbm>>) dst(%arg11 : memref<200x64xf32, #tpu.memory_space<vmem>>)
      %scan3A_133 = arith.constant 0 : i32
      %scan3A_134 = arith.constant 0 : i32
      %scan3A_135 = arith.constant 200 : i32
      %scan3A_136 = arith.addi %scan3A_134, %scan3A_135 : i32
      %scan3A_137 = arith.constant 1 : i32
      scf.for %scan3A_146 = %scan3A_134 to %scan3A_136 step %scan3A_137  : i32 {
        %get3A = arith.index_cast %scan3A_146 : i32 to index
        %get3A_147 = arith.constant 0 : index
        %get3A_148 = tpu.vector_load %arg11[%get3A, %get3A_147] {strides = array<i32>} : memref<200x64xf32, #tpu.memory_space<vmem>>, vector<1x16xf32>,
        %get3A_149 = vector.shape_cast %get3A_148 : vector<1x16xf32> to vector<16xf32>
        %get3A_150 = arith.index_cast %scan3A_146 : i32 to index
        %get3A_151 = arith.constant 0 : index
        %get3A_152 = tpu.vector_load %arg7[%get3A_150, %get3A_151] {strides = array<i32>} : memref<200x64xf32, #tpu.memory_space<vmem>>, vector<1x16xf32>,
        %get3A_153 = vector.shape_cast %get3A_152 : vector<1x16xf32> to vector<16xf32>
        %add3A_154 = arith.addf %get3A_149, %get3A_153 : vector<16xf32>
        %swap3A = arith.index_cast %scan3A_146 : i32 to index
        %swap3A_155 = arith.constant 0 : index
        %swap3A_156 = tpu.vector_load %arg11[%swap3A, %swap3A_155] {strides = array<i32>} : memref<200x64xf32, #tpu.memory_space<vmem>>, vector<1x16xf32>,
        %swap3A_157 = vector.shape_cast %swap3A_156 : vector<1x16xf32> to vector<16xf32>
        %swap3A_158 = vector.shape_cast %add3A_154 : vector<16xf32> to vector<1x16xf32>
        tpu.vector_store %arg11[%swap3A, %swap3A_155], %swap3A_158 {strides = array<i32>} : memref<200x64xf32, #tpu.memory_space<vmem>>, vector<1x16xf32>,
        %get3A_159 = arith.index_cast %scan3A_146 : i32 to index
        %get3A_160 = arith.constant 16 : index
        %get3A_161 = tpu.vector_load %arg11[%get3A_159, %get3A_160] {strides = array<i32>} : memref<200x64xf32, #tpu.memory_space<vmem>>, vector<1x16xf32>,
        %get3A_162 = vector.shape_cast %get3A_161 : vector<1x16xf32> to vector<16xf32>
        %get3A_163 = arith.index_cast %scan3A_146 : i32 to index
        %get3A_164 = arith.constant 16 : index
        %get3A_165 = tpu.vector_load %arg7[%get3A_163, %get3A_164] {strides = array<i32>} : memref<200x64xf32, #tpu.memory_space<vmem>>, vector<1x16xf32>,
        %get3A_166 = vector.shape_cast %get3A_165 : vector<1x16xf32> to vector<16xf32>
        %add3A_167 = arith.addf %get3A_162, %get3A_166 : vector<16xf32>
        %swap3A_168 = arith.index_cast %scan3A_146 : i32 to index
        %swap3A_169 = arith.constant 16 : index
        %swap3A_170 = tpu.vector_load %arg11[%swap3A_168, %swap3A_169] {strides = array<i32>} : memref<200x64xf32, #tpu.memory_space<vmem>>, vector<1x16xf32>,
        %swap3A_171 = vector.shape_cast %swap3A_170 : vector<1x16xf32> to vector<16xf32>
        %swap3A_172 = vector.shape_cast %add3A_167 : vector<16xf32> to vector<1x16xf32>
        tpu.vector_store %arg11[%swap3A_168, %swap3A_169], %swap3A_172 {strides = array<i32>} : memref<200x64xf32, #tpu.memory_space<vmem>>, vector<1x16xf32>,
        %get3A_173 = arith.index_cast %scan3A_146 : i32 to index
        %get3A_174 = arith.constant 32 : index
        %get3A_175 = tpu.vector_load %arg11[%get3A_173, %get3A_174] {strides = array<i32>} : memref<200x64xf32, #tpu.memory_space<vmem>>, vector<1x16xf32>,
        %get3A_176 = vector.shape_cast %get3A_175 : vector<1x16xf32> to vector<16xf32>
        %get3A_177 = arith.index_cast %scan3A_146 : i32 to index
        %get3A_178 = arith.constant 32 : index
        %get3A_179 = tpu.vector_load %arg7[%get3A_177, %get3A_178] {strides = array<i32>} : memref<200x64xf32, #tpu.memory_space<vmem>>, vector<1x16xf32>,
        %get3A_180 = vector.shape_cast %get3A_179 : vector<1x16xf32> to vector<16xf32>
        %add3A_181 = arith.addf %get3A_176, %get3A_180 : vector<16xf32>
        %swap3A_182 = arith.index_cast %scan3A_146 : i32 to index
        %swap3A_183 = arith.constant 32 : index
        %swap3A_184 = tpu.vector_load %arg11[%swap3A_182, %swap3A_183] {strides = array<i32>} : memref<200x64xf32, #tpu.memory_space<vmem>>, vector<1x16xf32>,
        %swap3A_185 = vector.shape_cast %swap3A_184 : vector<1x16xf32> to vector<16xf32>
        %swap3A_186 = vector.shape_cast %add3A_181 : vector<16xf32> to vector<1x16xf32>
        tpu.vector_store %arg11[%swap3A_182, %swap3A_183], %swap3A_186 {strides = array<i32>} : memref<200x64xf32, #tpu.memory_space<vmem>>, vector<1x16xf32>,
        %get3A_187 = arith.index_cast %scan3A_146 : i32 to index
        %get3A_188 = arith.constant 48 : index
        %get3A_189 = tpu.vector_load %arg11[%get3A_187, %get3A_188] {strides = array<i32>} : memref<200x64xf32, #tpu.memory_space<vmem>>, vector<1x16xf32>,
        %get3A_190 = vector.shape_cast %get3A_189 : vector<1x16xf32> to vector<16xf32>
        %get3A_191 = arith.index_cast %scan3A_146 : i32 to index
        %get3A_192 = arith.constant 48 : index
        %get3A_193 = tpu.vector_load %arg7[%get3A_191, %get3A_192] {strides = array<i32>} : memref<200x64xf32, #tpu.memory_space<vmem>>, vector<1x16xf32>,
        %get3A_194 = vector.shape_cast %get3A_193 : vector<1x16xf32> to vector<16xf32>
        %add3A_195 = arith.addf %get3A_190, %get3A_194 : vector<16xf32>
        %swap3A_196 = arith.index_cast %scan3A_146 : i32 to index
        %swap3A_197 = arith.constant 48 : index
        %swap3A_198 = tpu.vector_load %arg11[%swap3A_196, %swap3A_197] {strides = array<i32>} : memref<200x64xf32, #tpu.memory_space<vmem>>, vector<1x16xf32>,
        %swap3A_199 = vector.shape_cast %swap3A_198 : vector<1x16xf32> to vector<16xf32>
        %swap3A_200 = vector.shape_cast %add3A_195 : vector<16xf32> to vector<1x16xf32>
        tpu.vector_store %arg11[%swap3A_196, %swap3A_197], %swap3A_200 {strides = array<i32>} : memref<200x64xf32, #tpu.memory_space<vmem>>, vector<1x16xf32>,
      }
      %scan3A_138 = arith.constant 200 : i32
      %mul3A_139 = arith.constant 200 : i32
      %mul3A_140 = arith.muli %add3A_120, %mul3A_139 : i32
      %add3A_141 = arith.addi %mul3A_2, %mul3A_140 : i32
      %dma_start3A_142 = arith.constant 0 : i32
      %dma_start3A_143 = tpu.memref_slice %arg5[%add3A_141, %dma_start3A_142] : memref<819200x64xf32, #tpu.memory_space<hbm>> -> memref<200x64xf32, #tpu.memory_space<hbm>>
      %dma_start3A_144 = arith.constant 0 : i32
      %dma_start3A_145 = tpu.memref_slice %arg5[%add3A_141, %dma_start3A_144] : memref<819200x64xf32, #tpu.memory_space<hbm>> -> memref<200x64xf32, #tpu.memory_space<hbm>>
      tpu.enqueue_dma source(%arg11 : memref<200x64xf32, #tpu.memory_space<vmem>>) target(%dma_start3A_145 : memref<200x64xf32, #tpu.memory_space<hbm>>) target_semaphore(%arg19 : memref<!tpu.dma_semaphore, #tpu.memory_space<semaphore_mem>>)
    }
    %scan3A_16 = arith.constant 32 : i32
    %dma_wait3A = arith.constant 0 : i32
    %dma_wait3A_17 = tpu.memref_slice %arg5[%mul3A_2, %dma_wait3A] : memref<819200x64xf32, #tpu.memory_space<hbm>> -> memref<200x64xf32, #tpu.memory_space<hbm>>
    %dma_wait3A_18 = arith.constant 0 : i32
    %dma_wait3A_19 = tpu.memref_slice %arg5[%mul3A_2, %dma_wait3A_18] : memref<819200x64xf32, #tpu.memory_space<hbm>> -> memref<200x64xf32, #tpu.memory_space<hbm>>
    tpu.wait_dma2 semaphore(%arg16 : memref<!tpu.dma_semaphore, #tpu.memory_space<semaphore_mem>>) src(%arg8 : memref<200x64xf32, #tpu.memory_space<vmem>>) dst(%dma_wait3A_19 : memref<200x64xf32, #tpu.memory_space<hbm>>)
    %dma_wait3A_20 = arith.constant 0 : i32
    %dma_wait3A_21 = tpu.memref_slice %arg5[%mul3A_2, %dma_wait3A_20] : memref<819200x64xf32, #tpu.memory_space<hbm>> -> memref<200x64xf32, #tpu.memory_space<hbm>>
    %dma_wait3A_22 = arith.constant 0 : i32
    %dma_wait3A_23 = tpu.memref_slice %arg5[%mul3A_2, %dma_wait3A_22] : memref<819200x64xf32, #tpu.memory_space<hbm>> -> memref<200x64xf32, #tpu.memory_space<hbm>>
    tpu.wait_dma2 semaphore(%arg17 : memref<!tpu.dma_semaphore, #tpu.memory_space<semaphore_mem>>) src(%arg9 : memref<200x64xf32, #tpu.memory_space<vmem>>) dst(%dma_wait3A_23 : memref<200x64xf32, #tpu.memory_space<hbm>>)
    %dma_wait3A_24 = arith.constant 0 : i32
    %dma_wait3A_25 = tpu.memref_slice %arg5[%mul3A_2, %dma_wait3A_24] : memref<819200x64xf32, #tpu.memory_space<hbm>> -> memref<200x64xf32, #tpu.memory_space<hbm>>
    %dma_wait3A_26 = arith.constant 0 : i32
    %dma_wait3A_27 = tpu.memref_slice %arg5[%mul3A_2, %dma_wait3A_26] : memref<819200x64xf32, #tpu.memory_space<hbm>> -> memref<200x64xf32, #tpu.memory_space<hbm>>
    tpu.wait_dma2 semaphore(%arg18 : memref<!tpu.dma_semaphore, #tpu.memory_space<semaphore_mem>>) src(%arg10 : memref<200x64xf32, #tpu.memory_space<vmem>>) dst(%dma_wait3A_27 : memref<200x64xf32, #tpu.memory_space<hbm>>)
    %dma_wait3A_28 = arith.constant 0 : i32
    %dma_wait3A_29 = tpu.memref_slice %arg5[%mul3A_2, %dma_wait3A_28] : memref<819200x64xf32, #tpu.memory_space<hbm>> -> memref<200x64xf32, #tpu.memory_space<hbm>>
    %dma_wait3A_30 = arith.constant 0 : i32
    %dma_wait3A_31 = tpu.memref_slice %arg5[%mul3A_2, %dma_wait3A_30] : memref<819200x64xf32, #tpu.memory_space<hbm>> -> memref<200x64xf32, #tpu.memory_space<hbm>>
    tpu.wait_dma2 semaphore(%arg19 : memref<!tpu.dma_semaphore, #tpu.memory_space<semaphore_mem>>) src(%arg11 : memref<200x64xf32, #tpu.memory_space<vmem>>) dst(%dma_wait3A_31 : memref<200x64xf32, #tpu.memory_space<hbm>>)
    return
  }
}

</mosaic_0001>

<sc_bundles>
// kernel: kernel.3.cloned.1.call-start
scs
__scs_entry_jumppad:
0x0: {  	(pc) =	sbr.rel $0x88, $3  }
0x1: {  	(tag) =	ssettag $0x0;
	lr =	simm.s32 $0x1  }
0x2: {  	[smem:$0x3F9E] =	sst lr;
	_ =	strace $0xD0000000  }
0x3: {  	_ = 	snop  }
0x4: {  	_ = 	snop  }
0x5: {  	_ = 	snop  }
0x6: {  	_ = 	snop  }
0x7: {  	_ = 	snop  }
__scs_overlays_trampoline_lowered:
0x8: {  	[smem:$0x3FAD] =	sst s0  }
0x9: {  	[smem:$0x3FAE] =	sst s1  }
0xa: {  	[smem:$0x3FAF] =	sst s2  }
0xb: {  	[smem:$0x3FB0] =	sst s3  }
0xc: {  	[smem:$0x3FB1] =	sst s4  }
0xd: {  	[smem:$0x3FB2] =	sst s5  }
0xe: {  	[smem:$0x3FB3] =	sst s6  }
0xf: {  	[smem:$0x3FB4] =	sst s7  }
0x10: {  	[smem:$0x3FB5] =	sst s8  }
0x11: {  	[smem:$0x3FB6] =	sst s9;
	s0 =	simm.s32 @!p0 $0x0  }
0x12: {  	s1 =	sld [smem:$0x3F9C];
	s0 =	simm.s32 @p0 $0x1  }
0x13: {  	[smem:$0x3FB7] =	sst s0;
	s0 =	simm.s32 @!p1 $0x0  }
0x14: {  	s2 =	sld [smem:$0x3F9B];
	s0 =	simm.s32 @p1 $0x1  }
0x15: {  	[smem:$0x3FB8] =	sst s0;
	s0 =	simm.s32 @!p2 $0x0  }
0x16: {  	s3 =	sld [smem:$0x3FDB];
	s0 =	simm.s32 @p2 $0x1  }
0x17: {  	s4 =	simm.s32 $0x1BF5;
	[smem:$0x3FBA] =	sst s0  }
0x18: {  	s0 =	sld [smem:$0x3F9D];
	_ =	swait.ge [sflag:s4], $0x0  }
0x19: {  	s7 =	sld [smem:$0x3F9E]  }
0x1a: {  	s8 =	sadd.s32 $0xFFFFE003, lr  }
0x1b: {  	s9 =	sadd.s32 $0xFFFFFEF7, lr;
	s5 =	simm.s32 $0xFFFFFFFF;
	p2 =	slt.u32 s8, $0xFFFFF086  }
0x1c: {  	p1 =	slt.u32 s9, $0xF7A;
	s5 =	simm.s32 @!p2 $0x0  }
0x1d: {  	s5 =	simm.s32 @p1 $0x1;
	p0 =	seq.s32 s7, s2  }
0x1e: {  	s7 =	smul.u32 @!p0 $0xF7A, s2;
	p2 =	seq.s32 @!p0 s5, $0x0  }
0x1f: {  	s9 =	smul.u32 $0xF7A, s1;
	s8 =	simm.s32 @!p0 $0x1BF5;
	p2 =	por !p2, p0  }
0x20: {  	[sflag:s8] =	ssyncset.s32 @!p0 $0xFFFFF086;
	s6 =	sadd.s32 @!p0 s3, s7;
	s7 =	simm.s32 @!p0 $0x108  }
0x21: {  	s3 =	sadd.s32 s3, s9;
	s6 =	sadd.s32 @!p0 $0x88, s6;
	s7 =	simm.s32 @p2 $0x1082  }
0x22: {  	[simem:s7], [sflag:s8] =	dma.local @!p0 [hbm:s6], $0xF7A  }
0x23: {  	s9 =	sor.u32 $0xD0000000, s2;
	s6 =	simm.s32 $0x108;
	_ =	swait.ge @!p0 [sflag:s8], $0x0  }
0x24: {  	s3 =	sadd.s32 $0x88, s3;
	s6 =	simm.s32 @!p1 $0x1082;
	[sflag:s4] =	ssyncset.s32 $0xFFFFF086  }
0x25: {  	[simem:s6], [sflag:s4] =	dma.local [hbm:s3], $0xF7A  }
0x26: {  	[smem:$0x3F9E] =	sst s1;
	(tag) =	ssettag s2;
	_ =	strace s9  }
0x27: {  	s1 =	sld [smem:$0x3FAE]  }
0x28: {  	s2 =	sld [smem:$0x3FAF]  }
0x29: {  	s4 =	sld [smem:$0x3FB1]  }
0x2a: {  	p0 =	seq.s32 s5, $0x0;
	s5 =	sld [smem:$0x3FB2]  }
0x2b: {  	s6 =	sld [smem:$0x3FB3]  }
0x2c: {  	s7 =	sld [smem:$0x3FB4]  }
0x2d: {  	s3 =	simm.s32 $0x108;
	s8 =	sld [smem:$0x3FB5]  }
0x2e: {  	s3 =	simm.s32 @!p0 $0x1082;
	s9 =	sld [smem:$0x3FB6]  }
0x2f: {  	lr =	sadd.s32 s0, s3;
	s0 =	sld [smem:$0x3FAD]  }
0x30: {  	s3 =	sld [smem:$0x3FB0]  }
0x31: {  	[smem:$0x3FB9] =	sst s10  }
0x32: {  	s10 =	sld [smem:$0x3FB7];
	_ =	sdelay $0x3  }
0x33: {  	p0 =	seq.s32 s10, $0x1;
	s10 =	sld [smem:$0x3FB9];
	_ =	sdelay $0x3  }
0x34: {  	[smem:$0x3FB9] =	sst s10  }
0x35: {  	s10 =	sld [smem:$0x3FB8];
	_ =	sdelay $0x3  }
0x36: {  	p1 =	seq.s32 s10, $0x1;
	s10 =	sld [smem:$0x3FB9];
	_ =	sdelay $0x3  }
0x37: {  	[smem:$0x3FB9] =	sst s10  }
0x38: {  	s10 =	sld [smem:$0x3FBA]  }
0x39: {  	_ = 	snop;
	(pc) =	sbr.ind lr, $3  }
0x3a: {  	_ = 	snop  }
0x3b: {  	_ = 	snop  }
0x3c: {  	p2 =	seq.s32 s10, $0x1;
	s10 =	sld [smem:$0x3FB9]  }
0x3d: {  	_ =	shalt  }
0x3e: {  	_ =	shalt  }
0x3f: {  	_ =	shalt  }
0x40: {  	_ =	shalt  }
0x41: {  	_ =	shalt  }
0x42: {  	_ =	shalt  }
0x43: {  	_ =	shalt  }
0x44: {  	_ =	shalt  }
0x45: {  	_ =	shalt  }
0x46: {  	_ =	shalt  }
0x47: {  	_ =	shalt  }
0x48: {  	_ =	shalt  }
0x49: {  	_ =	shalt  }
0x4a: {  	_ =	shalt  }
0x4b: {  	_ =	shalt  }
0x4c: {  	_ =	shalt  }
0x4d: {  	_ =	shalt  }
0x4e: {  	_ =	shalt  }
0x4f: {  	_ =	shalt  }
0x50: {  	_ =	shalt  }
0x51: {  	_ =	shalt  }
0x52: {  	_ =	shalt  }
0x53: {  	_ =	shalt  }
0x54: {  	_ =	shalt  }
0x55: {  	_ =	shalt  }
0x56: {  	_ =	shalt  }
0x57: {  	_ =	shalt  }
0x58: {  	_ =	shalt  }
0x59: {  	_ =	shalt  }
0x5a: {  	_ =	shalt  }
0x5b: {  	_ =	shalt  }
0x5c: {  	_ =	shalt  }
0x5d: {  	_ =	shalt  }
0x5e: {  	_ =	shalt  }
0x5f: {  	_ =	shalt  }
0x60: {  	_ =	shalt  }
0x61: {  	_ =	shalt  }
0x62: {  	_ =	shalt  }
0x63: {  	_ =	shalt  }
0x64: {  	_ =	shalt  }
0x65: {  	_ =	shalt  }
0x66: {  	_ =	shalt  }
0x67: {  	_ =	shalt  }
0x68: {  	_ =	shalt  }
0x69: {  	_ =	shalt  }
0x6a: {  	_ =	shalt  }
0x6b: {  	_ =	shalt  }
0x6c: {  	_ =	shalt  }
0x6d: {  	_ =	shalt  }
0x6e: {  	_ =	shalt  }
0x6f: {  	_ =	shalt  }
0x70: {  	_ =	shalt  }
0x71: {  	_ =	shalt  }
0x72: {  	_ =	shalt  }
0x73: {  	_ =	shalt  }
0x74: {  	_ =	shalt  }
0x75: {  	_ =	shalt  }
0x76: {  	_ =	shalt  }
0x77: {  	_ =	shalt  }
0x78: {  	_ =	shalt  }
0x79: {  	_ =	shalt  }
0x7a: {  	_ =	shalt  }
0x7b: {  	_ =	shalt  }
0x7c: {  	_ =	shalt  }
0x7d: {  	_ =	shalt  }
0x7e: {  	_ =	shalt  }
0x7f: {  	_ =	shalt  }
0x80: {  	_ =	shalt  }
0x81: {  	_ =	shalt  }
0x82: {  	_ =	shalt  }
0x83: {  	_ =	shalt  }
0x84: {  	_ =	shalt  }
0x85: {  	_ =	shalt  }
0x86: {  	_ =	shalt  }
0x87: {  	_ =	shalt  }
.Lfunc_end0:
.L_simem_size_0:
called_computation.1_lowered:
.L_overlay_start_0:
0x88: {  	s2 =	sld [smem:$0x3FD9]  }
0x89: {  	s3 =	sld [smem:$0x3FFE];
	_ =	sdelay $0x1  }
0x8a: {  	s1 =	srdreg.scid  }
0x8b: {  	s0 =	sand.u32 $0x1, s1  }
0x8c: {  	s17 =	sshll.u32 s0, $0xA;
	s2 =	sadd.s32 s3, s2  }
0x8d: {  	s2 =	sadd.s32 s2, s17  }
0x8e: {  	[smem:$0x3FC5] =	sst s2  }
0x8f: {  	_ = 	snop  }
0x90: {  	s2 =	sld [smem:$0x3FD0];
	(tm) =	ssettm $0x1  }
0x91: {  	s18 =	sld [smem:$0x3FFB];
	_ =	sdelay $0x3  }
0x92: {  	_ =	strace s18  }
0x93: {  	s3 =	sld [smem:$0x3FFC];
	_ =	sdelay $0x3  }
0x94: {  	_ =	strace s3  }
0x95: {  	s3 =	sld [smem:$0x3FFD];
	_ =	sdelay $0x3  }
0x96: {  	_ =	strace s3  }
0x97: {  	_ =	strace $0x8FFFFFFF  }
0x98: {  	s19 =	sld [smem:$0x3FDB];
	_ =	sdelay $0x1  }
0x99: {  	s4 =	simm.s32 $_scs_section_size  }
0x9a: {  	s5 =	simm.s32 $_size__tile_overlayer_lowered;
	s6 =	simm.s32 $_tile_overlayer_lowered  }
0x9b: {  	s22 =	simm.s32 $0x1BFF;
	s21 =	sshll.u32 s6, $0x1;
	s3 =	sadd.s32 s4, s19  }
0x9c: {  	s7 =	simm.s32 $0x0;
	s20 =	sshll.u32 s5, $0x1;
	s5 =	sadd.s32 s21, s3  }
0x9d: {  	[timem:s7], [sflag:s22] =	dma.local [hbm:s5], s20  }
0x9e: {  	_ =	swait.ge [sflag:s22], s20  }
0x9f: {  	s4 =	ssub.s32 $0x0, s20;
	[sflag:s22] =	ssyncset.done $0x0  }
0xa0: {  	[sflag:s22] =	ssyncadd.s32 s4;
	_ =	sdelay $0x1  }
0xa1: {  	s23 =	simm.s32 $0x1B8B  }
0xa2: {  	_ =	swait.ge [sflag:s23], $0x1  }
0xa3: {  	[sflag:s23] =	ssyncset.done $0x0  }
0xa4: {  	s25 =	simm.s32 $0x1B8E;
	s24 =	sld [smem:$0x3FFE];
	[sflag:s23] =	ssyncadd.s32 $0xFFFFFFFF  }
0xa5: {  	s26 =	simm.s32 $execute0_lowered;
	[smem:$0x3FD2] =	sst s25  }
0xa6: {  	s5 =	sshll.u32 s26, $0x1;
	_ =	strace $0x80000046;
	[dreg:$0x1] =	wrdreg $0xFFFFFFFF  }
0xa7: {  	s28 =	simm.s32 $_size_execute0_lowered;
	s3 =	sadd.s32 s3, s5;
	[dreg:$0x0] =	wrdreg $0x0  }
0xa8: {  	s5 =	sshll.u32 s28, $0x1;
	[dreg:$0x2] =	wrdreg s3  }
0xa9: {  	[dreg:$0x3] =	wrdreg s5  }
0xaa: {  	[dreg:$0x4] =	wrdreg $0xC0  }
0xab: {  	_ =	task [dreg:s7], $0x5FFFF  }
0xac: {  	[dreg:$0x1] =	wrdreg $0xFFFFFFFF  }
0xad: {  	[dreg:$0x0] =	wrdreg $0x60  }
0xae: {  	[dreg:$0x2] =	wrdreg s24  }
0xaf: {  	[dreg:$0x3] =	wrdreg s2  }
0xb0: {  	[dreg:$0x4] =	wrdreg $0x9  }
0xb1: {  	_ =	task.clear_ibuf [dreg:s7], $0x5FFFF;
	_ =	strace $0x90000046  }
0xb2: {  	s29 =	simm.s32 $0x9;
	_ =	strace $0x80000048  }
0xb3: {  	_ =	swait.ge [sflag:s29], $0x1  }
0xb4: {  	[sflag:s29] =	ssyncadd.s32 $0xFFFFFFFF  }
0xb5: {  	_ =	strace $0x90000048  }
0xb6: {  	_ =	sfence  }
0xb7: {  	s30 =	sld [smem:$0x0];
	_ =	sdelay $0x2  }
0xb8: {  	s31 =	sshll.u32 s1, $0xD;
	s1 =	sshrl.u32 s1, $0x2  }
0xb9: {  	s3 =	sand.u32 $0x4000, s31;
	s1 =	sadd.s32 s1, s30  }
0xba: {  	s0 =	sor.u32 s3, s0;
	s1 =	sshll.u32 s1, $0x11  }
0xbb: {  	s0 =	sor.u32 s1, s0  }
0xbc: {  	s0 =	sadd.s32 $0x8F2B, s0  }
0xbd: {  	[sflag:s0] =	ssyncadd.remote.s32 $0x1  }
0xbe: {  	_ =	sfence.sel $0xFFFF  }
0xbf: {  	[dreg:$0x0] =	wrdreg $0xFFFFFFFF;
	(pc) =	sbr.abs _section_cstart, $3  }
0xc0: {  	[dreg:$0x1] =	wrdreg $0xFFFFFFFF  }
0xc1: {  	_ =	task.clear_ibuf [dreg:s7], $0x2FFFF;
	_ =	strace $0x9FFFFFFF  }
0xc2: {  	(tm) =	ssettm $0x7FFFFFFF  }
0xc3: {  	_ =	shalt  }
tec
execute0_lowered:
.L_overlay_start_1:
0x0: {  	(tag) =	ssettag $0x1  }
0x1: {  	s1 =	srdreg.scid;
	s6 =	rddreg [dreg:$0x0]  }
0x2: {  	s0 =	stileid.u32;
	s2 =	rddreg [dreg:$0x1]  }
0x3: {  	s10 =	simm.s32 $0x9;
	s11 =	simm.s32 $0x6400;
	s12 =	simm.s32 $0xC8  }
0x4: {  	s13 =	simm.s32 $0x9600;
	s14 =	simm.s32 $0xC800;
	s15 =	simm.s32 $0xFA00  }
0x5: {  	s16 =	simm.s32 $0x1;
	s17 =	simm.s32 $0x12C00;
	s18 =	simm.s32 $0x2  }
0x6: {  	s19 =	simm.s32 $0x3;
	s20 =	simm.s32 $0x4;
	s21 =	simm.s32 $0x5  }
0x7: {  	s22 =	simm.s32 $0x6;
	s1 =	sand.u32 $0x1, s1;
	s3 =	sshll.u32 s0, $0x1  }
0x8: {  	s23 =	simm.s32 $0x7;
	s24 =	simm.s32 $0x8;
	s4 =	sor.u32 s1, s3  }
0x9: {  	s3 =	simm.s32 $0x0;
	s1 =	ssub.s32 $0x2, s1;
	s4 =	smul.u32 $0x6400, s4  }
0xa: {  	s25 =	simm.s32 $0x0;
	[smem:$0x7FF] =	sst s3;
	s8 =	sshrl.u32 s1, $0x1  }
0xb: {  	_ =	strace $0x80000047;
	s1 =	ssub.s32 s1, s8;
	s5 =	sshrl.u32 s4, $0x3  }
0xc: {  	s8 =	sor.u32 $0xC8, s4;
	s9 =	smax.u32 s1, $0x1;
	s7 =	sadd.s32 s5, s6  }
0xd: {  	s5 =	sadd.s32 $0xF43000, s6;
	s6 =	sadd.s32 $0x19C00, s6;
	s7 =	sadd.s32 $0xC00, s7  }
.LBB2_1:
0xe: {  	[tilespmem:s3], [sflag:$0x9] =	stream.linear.gather [hbm4b:s7+s3], $0x6400, $0x38;
	[tilespmem:$0x15E00] =	vst v63  }
0xf: {  	_ =	swait.ge [sflag:s10], $0x6400  }
0x10: {  	[sflag:s10] =	ssyncset.done $0x0  }
0x11: {  	[sflag:s10] =	ssyncadd.s32 $0xFFFF9C00  }
0x12: {  	[tilespmem:s11], [sflag:$0x9] =	stream.linear.gather [hbm4b:s6+s3], $0x3200, $0x38;
	[tilespmem:$0x15E00] =	vst v63  }
0x13: {  	_ =	swait.ge [sflag:s10], $0x3200  }
0x14: {  	[sflag:s10] =	ssyncset.done $0x0  }
0x15: {  	[sflag:s10] =	ssyncadd.s32 $0xFFFFCE00  }
0x16: {  	[tilespmem:s13], [sflag:$0x1] =	stream.indirect.gather [hbm4b:s5+s12], $0x40, s3, s12, $0xb8;
	[tilespmem:$0x15E00] =	vst v63  }
0x17: {  	s26 =	simm.s32 $0x0  }
0x18: {  	[tilespmem:s14], [sflag:$0x2] =	stream.indirect.gather [hbm4b:s5+s12], $0x40, s12, s12, $0xb8;
	[tilespmem:$0x15E00] =	vst v63  }
.LBB2_2:
0x19: {  	s28 =	sshll.u32 s26, $0x2;
	p0 =	seq.s32 s26, $0x0  }
0x1a: {  	s29 =	sor.u32 $0x2, s28;
	s1 =	simm.s32 @!p0 $0x7  }
0x1b: {  	_ =	swait.ge @!p0 [sflag:s1], $0x3200;
	s30 =	smul.u32 $0x320, s29  }
0x1c: {  	[sflag:s1] =	ssyncset.done @!p0 $0x0  }
0x1d: {  	[sflag:s1] =	ssyncadd.s32 @!p0 $0xFFFFCE00;
	s0 =	sshra.s32 s30, $0x2  }
0x1e: {  	[tilespmem:s15], [sflag:$0x3] =	stream.indirect.gather [hbm4b:s5+s12], $0x40, s0, s12, $0xb8;
	[tilespmem:$0x15E00] =	vst v63  }
0x1f: {  	_ =	swait.ge [sflag:s16], $0x3200  }
0x20: {  	[sflag:s16] =	ssyncset.done $0x0  }
0x21: {  	s31 =	simm.s32 $0x0;
	[sflag:s16] =	ssyncadd.s32 $0xFFFFCE00  }
0x22: {  	v5 =	vld [tilespmem:s31+$0x6400]  }
0x23: {  	v6 =	vld [tilespmem:s31+$0x6410]  }
0x24: {  	v1 =	vld [tilespmem:s31+$0x6420]  }
0x25: {  	v0 =	vld [tilespmem:s31+$0x6430]  }
0x26: {  	v3 =	vld [tilespmem:s31+$0x9600]  }
0x27: {  	v4 =	vld [tilespmem:s31+$0x9610]  }
0x28: {  	s30 =	simm.s32 $0x100;
	v2 =	vld [tilespmem:s31+$0x9620]  }
.LBB2_3:
0x29: {  	s1 =	sshra.s32 s30, $0x2;
	p1 =	sne.s32 s30, $0xC700;
	v7 =	vld [tilespmem:s31+$0x9630];
	v8 =	vmov v1  }
0x2a: {  	v9 =	vld [tilespmem:s1+$0x6400];
	v10 =	vmov v0  }
0x2b: {  	v11 =	vld [tilespmem:s1+$0x6410];
	v3 =	vadd.f32 v5, v3  }
.Ltmp0:
0x2c: {  	v1 =	vld [tilespmem:s1+$0x6420];
	v4 =	vadd.f32 v6, v4;
	(pc) =	sbr.rel @p1 .LBB2_3-.Ltmp0, $4  }
0x2d: {  	v0 =	vld [tilespmem:s1+$0x6430];
	[tilespmem:s31+$0x9600] =	vst v3;
	v2 =	vadd.f32 v8, v2  }
0x2e: {  	v3 =	vld [tilespmem:s1+$0x9600];
	[tilespmem:s31+$0x9610] =	vst v4;
	v7 =	vadd.f32 v10, v7  }
0x2f: {  	v4 =	vld [tilespmem:s1+$0x9610];
	[tilespmem:s31+$0x9620] =	vst v2;
	v5 =	vmov v9  }
0x30: {  	s30 =	sadd.s32 $0x100, s30;
	v2 =	vld [tilespmem:s1+$0x9620];
	[tilespmem:s31+$0x9630] =	vst v7;
	v6 =	vmov v11;
	s31 =	smov.u32 s1  }
0x31: {  	v7 =	vld [tilespmem:s31+$0x9630];
	_ =	sdelay $0x1  }
0x32: {  	v3 =	vadd.f32 v5, v3  }
0x33: {  	s30 =	smul.u32 $0x320, s26;
	v4 =	vadd.f32 v6, v4  }
0x34: {  	[tilespmem:s31+$0x9600] =	vst v3;
	v1 =	vadd.f32 v1, v2  }
0x35: {  	s1 =	sadd.s32 s4, s30;
	[tilespmem:s31+$0x9610] =	vst v4;
	v0 =	vadd.f32 v0, v7  }
0x36: {  	s1 =	sshll.u32 s1, $0x3;
	[tilespmem:s31+$0x9620] =	vst v1  }
0x37: {  	s1 =	sadd.s32 s2, s1;
	[tilespmem:s31+$0x9630] =	vst v0  }
0x38: {  	[hbm4b:s1+s3] =	stream.linear.scatter [tilespmem:s13], [sflag:$0x5], $0x3200, $0x38;
	[tilespmem:$0x15E00] =	vst v63  }
0x39: {  	s28 =	sor.u32 $0x3, s28;
	s1 =	simm.s32 @!p0 $0x8  }
0x3a: {  	s31 =	smul.u32 $0x320, s28;
	_ =	swait.ge @!p0 [sflag:s1], $0x3200  }
0x3b: {  	[sflag:s1] =	ssyncset.done @!p0 $0x0  }
0x3c: {  	s0 =	sshra.s32 s31, $0x2;
	[sflag:s1] =	ssyncadd.s32 @!p0 $0xFFFFCE00  }
0x3d: {  	[tilespmem:s17], [sflag:$0x4] =	stream.indirect.gather [hbm4b:s5+s12], $0x40, s0, s12, $0xb8;
	[tilespmem:$0x15E00] =	vst v63  }
0x3e: {  	_ =	swait.ge [sflag:s18], $0x3200  }
0x3f: {  	[sflag:s18] =	ssyncset.done $0x0  }
0x40: {  	s31 =	simm.s32 $0x0;
	[sflag:s18] =	ssyncadd.s32 $0xFFFFCE00  }
0x41: {  	v5 =	vld [tilespmem:s31+$0x6400]  }
0x42: {  	v6 =	vld [tilespmem:s31+$0x6410]  }
0x43: {  	v1 =	vld [tilespmem:s31+$0x6420]  }
0x44: {  	v0 =	vld [tilespmem:s31+$0x6430]  }
0x45: {  	v2 =	vld [tilespmem:s31+$0xC800]  }
0x46: {  	v4 =	vld [tilespmem:s31+$0xC810]  }
0x47: {  	s1 =	simm.s32 $0x100;
	v3 =	vld [tilespmem:s31+$0xC820]  }
.LBB2_5:
0x48: {  	s0 =	sshra.s32 s1, $0x2;
	p0 =	sne.s32 s1, $0xC700;
	v7 =	vld [tilespmem:s31+$0xC830];
	v8 =	vmov v1  }
0x49: {  	v9 =	vld [tilespmem:s0+$0x6400];
	v10 =	vmov v0  }
0x4a: {  	v11 =	vld [tilespmem:s0+$0x6410];
	v2 =	vadd.f32 v5, v2  }
.Ltmp1:
0x4b: {  	v1 =	vld [tilespmem:s0+$0x6420];
	v4 =	vadd.f32 v6, v4;
	(pc) =	sbr.rel @p0 .LBB2_5-.Ltmp1, $4  }
0x4c: {  	v0 =	vld [tilespmem:s0+$0x6430];
	[tilespmem:s31+$0xC800] =	vst v2;
	v3 =	vadd.f32 v8, v3  }
0x4d: {  	v2 =	vld [tilespmem:s0+$0xC800];
	[tilespmem:s31+$0xC810] =	vst v4;
	v7 =	vadd.f32 v10, v7  }
0x4e: {  	v4 =	vld [tilespmem:s0+$0xC810];
	[tilespmem:s31+$0xC820] =	vst v3;
	v5 =	vmov v9  }
0x4f: {  	s1 =	sadd.s32 $0x100, s1;
	v3 =	vld [tilespmem:s0+$0xC820];
	[tilespmem:s31+$0xC830] =	vst v7;
	v6 =	vmov v11;
	s31 =	smov.u32 s0  }
0x50: {  	v7 =	vld [tilespmem:s31+$0xC830];
	_ =	sdelay $0x1  }
0x51: {  	v2 =	vadd.f32 v5, v2  }
0x52: {  	v4 =	vadd.f32 v6, v4  }
0x53: {  	s0 =	sadd.s32 s30, s8;
	[tilespmem:s31+$0xC800] =	vst v2;
	v1 =	vadd.f32 v1, v3  }
0x54: {  	s0 =	sshll.u32 s0, $0x3;
	[tilespmem:s31+$0xC810] =	vst v4;
	v0 =	vadd.f32 v0, v7  }
0x55: {  	s0 =	sand.u32 $0x1FFFFF40, s0;
	[tilespmem:s31+$0xC820] =	vst v1  }
0x56: {  	p0 =	seq.s32 s26, $0x1F;
	s0 =	sadd.s32 s2, s0;
	[tilespmem:s31+$0xC830] =	vst v0  }
0x57: {  	[hbm4b:s0+s3] =	stream.linear.scatter [tilespmem:s14], [sflag:$0x6], $0x3200, $0x38;
	[tilespmem:$0x15E00] =	vst v63  }
0x58: {  	s1 =	smul.u32 @!p0 $0xC80, s26;
	s0 =	simm.s32 @!p0 $0x5  }
0x59: {  	_ =	swait.ge @!p0 [sflag:s0], $0x3200  }
0x5a: {  	s30 =	sshra.s32 @!p0 s1, $0x2;
	s1 =	simm.s32 @!p0 $0xC8;
	[sflag:s0] =	ssyncset.done @!p0 $0x0  }
0x5b: {  	s31 =	simm.s32 @!p0 $0x9600;
	[sflag:s0] =	ssyncadd.s32 @!p0 $0xFFFFCE00;
	s0 =	sadd.s32 @!p0 $0x320, s30  }
0x5c: {  	[tilespmem:s31], [sflag:$0x1] =	stream.indirect.gather @!p0 [hbm4b:s5+s1], $0x40, s0, s1, $0xb8;
	[tilespmem:$0x15E00] =	vst v63  }
0x5d: {  	_ =	swait.ge [sflag:s19], $0x3200  }
0x5e: {  	[sflag:s19] =	ssyncset.done $0x0  }
0x5f: {  	s31 =	simm.s32 $0x0;
	[sflag:s19] =	ssyncadd.s32 $0xFFFFCE00  }
0x60: {  	v5 =	vld [tilespmem:s31+$0x6400]  }
0x61: {  	v6 =	vld [tilespmem:s31+$0x6410]  }
0x62: {  	v1 =	vld [tilespmem:s31+$0x6420]  }
0x63: {  	v0 =	vld [tilespmem:s31+$0x6430]  }
0x64: {  	v3 =	vld [tilespmem:s31+$0xFA00]  }
0x65: {  	v4 =	vld [tilespmem:s31+$0xFA10]  }
0x66: {  	s1 =	simm.s32 $0x100;
	v2 =	vld [tilespmem:s31+$0xFA20]  }
.LBB2_7:
0x67: {  	s0 =	sshra.s32 s1, $0x2;
	p1 =	sne.s32 s1, $0xC700;
	v7 =	vld [tilespmem:s31+$0xFA30];
	v8 =	vmov v1  }
0x68: {  	v9 =	vld [tilespmem:s0+$0x6400];
	v10 =	vmov v0  }
0x69: {  	v11 =	vld [tilespmem:s0+$0x6410];
	v3 =	vadd.f32 v5, v3  }
.Ltmp2:
0x6a: {  	v1 =	vld [tilespmem:s0+$0x6420];
	v4 =	vadd.f32 v6, v4;
	(pc) =	sbr.rel @p1 .LBB2_7-.Ltmp2, $4  }
0x6b: {  	v0 =	vld [tilespmem:s0+$0x6430];
	[tilespmem:s31+$0xFA00] =	vst v3;
	v2 =	vadd.f32 v8, v2  }
0x6c: {  	v3 =	vld [tilespmem:s0+$0xFA00];
	[tilespmem:s31+$0xFA10] =	vst v4;
	v7 =	vadd.f32 v10, v7  }
0x6d: {  	v4 =	vld [tilespmem:s0+$0xFA10];
	[tilespmem:s31+$0xFA20] =	vst v2;
	v5 =	vmov v9  }
0x6e: {  	s1 =	sadd.s32 $0x100, s1;
	v2 =	vld [tilespmem:s0+$0xFA20];
	[tilespmem:s31+$0xFA30] =	vst v7;
	v6 =	vmov v11;
	s31 =	smov.u32 s0  }
0x6f: {  	v7 =	vld [tilespmem:s31+$0xFA30];
	_ =	sdelay $0x1  }
0x70: {  	s0 =	smul.u32 $0xC8, s29;
	v3 =	vadd.f32 v5, v3  }
0x71: {  	v4 =	vadd.f32 v6, v4  }
0x72: {  	s0 =	sadd.s32 s4, s0;
	[tilespmem:s31+$0xFA00] =	vst v3;
	v1 =	vadd.f32 v1, v2  }
0x73: {  	s0 =	sshll.u32 s0, $0x3;
	[tilespmem:s31+$0xFA10] =	vst v4;
	v0 =	vadd.f32 v0, v7  }
0x74: {  	s0 =	sand.u32 $0x1FFFFF80, s0;
	[tilespmem:s31+$0xFA20] =	vst v1  }
0x75: {  	s0 =	sadd.s32 s2, s0;
	[tilespmem:s31+$0xFA30] =	vst v0  }
0x76: {  	[hbm4b:s0+s3] =	stream.linear.scatter [tilespmem:s15], [sflag:$0x7], $0x3200, $0x38;
	[tilespmem:$0x15E00] =	vst v63  }
0x77: {  	s0 =	simm.s32 @!p0 $0x6  }
0x78: {  	_ =	swait.ge @!p0 [sflag:s0], $0x3200  }
0x79: {  	s1 =	simm.s32 @!p0 $0xC8;
	[sflag:s0] =	ssyncset.done @!p0 $0x0  }
0x7a: {  	s29 =	simm.s32 @!p0 $0xC800;
	[sflag:s0] =	ssyncadd.s32 @!p0 $0xFFFFCE00;
	s0 =	sadd.s32 @!p0 $0x3E8, s30  }
0x7b: {  	[tilespmem:s29], [sflag:$0x2] =	stream.indirect.gather @!p0 [hbm4b:s5+s1], $0x40, s0, s1, $0xb8;
	[tilespmem:$0x15E00] =	vst v63  }
0x7c: {  	_ =	swait.ge [sflag:s20], $0x3200  }
0x7d: {  	[sflag:s20] =	ssyncset.done $0x0  }
0x7e: {  	s29 =	simm.s32 $0x0;
	[sflag:s20] =	ssyncadd.s32 $0xFFFFCE00  }
0x7f: {  	v5 =	vld [tilespmem:s29+$0x6400]  }
0x80: {  	v6 =	vld [tilespmem:s29+$0x6410]  }
0x81: {  	v1 =	vld [tilespmem:s29+$0x6420]  }
0x82: {  	v0 =	vld [tilespmem:s29+$0x6430]  }
0x83: {  	v3 =	vld [tilespmem:s29+$0x12C00]  }
0x84: {  	v4 =	vld [tilespmem:s29+$0x12C10]  }
0x85: {  	s1 =	simm.s32 $0x100;
	v2 =	vld [tilespmem:s29+$0x12C20]  }
.LBB2_9:
0x86: {  	s0 =	sshra.s32 s1, $0x2;
	p0 =	sne.s32 s1, $0xC700;
	v7 =	vld [tilespmem:s29+$0x12C30];
	v8 =	vmov v1  }
0x87: {  	v9 =	vld [tilespmem:s0+$0x6400];
	v10 =	vmov v0  }
0x88: {  	v11 =	vld [tilespmem:s0+$0x6410];
	v3 =	vadd.f32 v5, v3  }
.Ltmp3:
0x89: {  	v1 =	vld [tilespmem:s0+$0x6420];
	v4 =	vadd.f32 v6, v4;
	(pc) =	sbr.rel @p0 .LBB2_9-.Ltmp3, $4  }
0x8a: {  	v0 =	vld [tilespmem:s0+$0x6430];
	[tilespmem:s29+$0x12C00] =	vst v3;
	v2 =	vadd.f32 v8, v2  }
0x8b: {  	v3 =	vld [tilespmem:s0+$0x12C00];
	[tilespmem:s29+$0x12C10] =	vst v4;
	v7 =	vadd.f32 v10, v7  }
0x8c: {  	v4 =	vld [tilespmem:s0+$0x12C10];
	[tilespmem:s29+$0x12C20] =	vst v2;
	v5 =	vmov v9  }
0x8d: {  	s1 =	sadd.s32 $0x100, s1;
	v2 =	vld [tilespmem:s0+$0x12C20];
	[tilespmem:s29+$0x12C30] =	vst v7;
	v6 =	vmov v11;
	s29 =	smov.u32 s0  }
0x8e: {  	v7 =	vld [tilespmem:s29+$0x12C30];
	_ =	sdelay $0x1  }
0x8f: {  	s0 =	smul.u32 $0xC8, s28;
	s26 =	sadd.s32 $0x1, s26;
	v3 =	vadd.f32 v5, v3  }
0x90: {  	p0 =	sne.s32 s26, $0x20;
	v4 =	vadd.f32 v6, v4  }
.Ltmp4:
0x91: {  	s0 =	sadd.s32 s4, s0;
	[tilespmem:s29+$0x12C00] =	vst v3;
	v1 =	vadd.f32 v1, v2;
	(pc) =	sbr.rel @p0 .LBB2_2-.Ltmp4, $4  }
0x92: {  	s0 =	sshll.u32 s0, $0x3;
	[tilespmem:s29+$0x12C10] =	vst v4;
	v0 =	vadd.f32 v0, v7  }
0x93: {  	s0 =	sand.u32 $0x1FFFFFC0, s0;
	[tilespmem:s29+$0x12C20] =	vst v1  }
0x94: {  	s0 =	sadd.s32 s2, s0;
	[tilespmem:s29+$0x12C30] =	vst v0  }
0x95: {  	[hbm4b:s0+s3] =	stream.linear.scatter [tilespmem:s17], [sflag:$0x8], $0x3200, $0x38;
	[tilespmem:$0x15E00] =	vst v63  }
0x96: {  	_ =	swait.ge [sflag:s21], $0x3200  }
0x97: {  	[sflag:s21] =	ssyncset.done $0x0  }
0x98: {  	[sflag:s21] =	ssyncadd.s32 $0xFFFFCE00  }
0x99: {  	_ =	swait.ge [sflag:s22], $0x3200  }
0x9a: {  	[sflag:s22] =	ssyncset.done $0x0  }
0x9b: {  	s25 =	sadd.s32 $0x1, s25;
	[sflag:s22] =	ssyncadd.s32 $0xFFFFCE00  }
0x9c: {  	p0 =	sne.s32 s25, s9;
	_ =	swait.ge [sflag:s23], $0x3200  }
.Ltmp5:
0x9d: {  	[sflag:s23] =	ssyncset.done $0x0;
	(pc) =	sbr.rel @p0 .LBB2_1-.Ltmp5, $4  }
0x9e: {  	[sflag:s23] =	ssyncadd.s32 $0xFFFFCE00  }
0x9f: {  	_ =	swait.ge [sflag:s24], $0x3200  }
0xa0: {  	[sflag:s24] =	ssyncset.done $0x0  }
0xa1: {  	[sflag:s24] =	ssyncadd.s32 $0xFFFFCE00  }
0xa2: {  	_ =	sfence.sel $0x180000  }
0xa3: {  	[bflag:$0x0] =	sbarrier.arrive $0xFFFF  }
0xa4: {  	_ =	strace $0x90000047  }
0xa5: {  	s0 =	stileid.u32;
	[bflag:$0x2] =	sbarrier.arrive $0xFFFF  }
0xa6: {  	p0 =	sne.s32 s0, $0x0;
	s0 =	rddreg [dreg:$0x2]  }
0xa7: {  	s0 =	sadd.s32 @!p0 $0x100000, s0  }
0xa8: {  	[sflag:s0] =	ssyncadd.tile.s32 @!p0 $0x1;
	_ =	shalt  }
.Lfunc_end2:
_tile_overlayer_lowered:
.L_overlay_start_2:
0xa9: {  	(tag) =	ssettag $0x2  }
0xaa: {  	s0 =	rddreg [dreg:$0x0];
	s2 =	stileid.u32  }
0xab: {  	s1 =	rddreg [dreg:$0x1];
	p0 =	sne.s32 s2, $0x0  }
0xac: {  	s3 =	rddreg [dreg:$0x2];
	[bflag:$0x3] =	sbarrier.arrive $0xFFFF;
	s2 =	simm.s32 @!p0 $0x1C09  }
0xad: {  	[timem:s3], [sflag:s2] =	dma.local @!p0 [hbm:s0], s1  }
0xae: {  	s0 =	simm.s32 @!p0 $0x9  }
0xaf: {  	_ =	swait.ge @!p0 [sflag:s0], s1  }
0xb0: {  	s1 =	ssub.s32 @!p0 $0x0, s1;
	[sflag:s0] =	ssyncset.done @!p0 $0x0  }
0xb1: {  	[sflag:s0] =	ssyncadd.s32 @!p0 s1  }
0xb2: {  	[bflag:$0x3] =	sbarrier.arrive $0xFFFF  }
0xb3: {  	_ =	shalt  }

// kernel: sparse-core-data-format-call.cloned.1.call-start
scs
called_computation_lowered:
.L_overlay_start_0:
0x0: {  	s2 =	sld [smem:$0x3FD9]  }
0x1: {  	s3 =	sld [smem:$0x3FFE];
	_ =	sdelay $0x1  }
0x2: {  	s1 =	srdreg.scid  }
0x3: {  	s0 =	sand.u32 $0x1, s1  }
0x4: {  	s18 =	sshll.u32 s0, $0xA;
	s2 =	sadd.s32 s3, s2  }
0x5: {  	s2 =	sadd.s32 s2, s18  }
0x6: {  	[smem:$0x3FC5] =	sst s2  }
0x7: {  	_ = 	snop  }
0x8: {  	s2 =	sld [smem:$0x3FD0];
	(tm) =	ssettm $0x1  }
0x9: {  	s19 =	sld [smem:$0x3FFB];
	_ =	sdelay $0x3  }
0xa: {  	_ =	strace s19  }
0xb: {  	s3 =	sld [smem:$0x3FFC];
	_ =	sdelay $0x3  }
0xc: {  	_ =	strace s3  }
0xd: {  	s3 =	sld [smem:$0x3FFD];
	_ =	sdelay $0x3  }
0xe: {  	_ =	strace s3  }
0xf: {  	_ =	strace $0x8FFFFFFF  }
0x10: {  	s20 =	sld [smem:$0x3FDB];
	_ =	sdelay $0x1  }
0x11: {  	s4 =	simm.s32 $_scs_section_size  }
0x12: {  	s5 =	simm.s32 $_size__tile_overlayer_lowered;
	s6 =	simm.s32 $_tile_overlayer_lowered  }
0x13: {  	s23 =	simm.s32 $0x1BFF;
	s22 =	sshll.u32 s6, $0x1;
	s3 =	sadd.s32 s4, s20  }
0x14: {  	s7 =	simm.s32 $0x0;
	s21 =	sshll.u32 s5, $0x1;
	s5 =	sadd.s32 s22, s3  }
0x15: {  	[timem:s7], [sflag:s23] =	dma.local [hbm:s5], s21  }
0x16: {  	_ =	swait.ge [sflag:s23], s21  }
0x17: {  	s4 =	ssub.s32 $0x0, s21;
	[sflag:s23] =	ssyncset.done $0x0  }
0x18: {  	[sflag:s23] =	ssyncadd.s32 s4;
	_ =	sdelay $0x1  }
0x19: {  	s24 =	simm.s32 $0x1B8B  }
0x1a: {  	_ =	swait.ge [sflag:s24], $0x1  }
0x1b: {  	[sflag:s24] =	ssyncset.done $0x0  }
0x1c: {  	s26 =	simm.s32 $0x1B8E;
	s25 =	sld [smem:$0x3FFE];
	[sflag:s24] =	ssyncadd.s32 $0xFFFFFFFF  }
0x1d: {  	s27 =	simm.s32 $execute0_lowered;
	[smem:$0x3FD2] =	sst s26  }
0x1e: {  	s5 =	sshll.u32 s27, $0x1;
	_ =	strace $0x80000049;
	[dreg:$0x1] =	wrdreg $0xFFFFFFFF  }
0x1f: {  	s28 =	simm.s32 $_size_execute0_lowered;
	s3 =	sadd.s32 s3, s5;
	[dreg:$0x0] =	wrdreg $0x0  }
0x20: {  	s5 =	sshll.u32 s28, $0x1;
	[dreg:$0x2] =	wrdreg s3  }
0x21: {  	[dreg:$0x3] =	wrdreg s5  }
0x22: {  	[dreg:$0x4] =	wrdreg $0xC0  }
0x23: {  	_ =	task [dreg:s7], $0x5FFFF  }
0x24: {  	[dreg:$0x1] =	wrdreg $0xFFFFFFFF  }
0x25: {  	[dreg:$0x0] =	wrdreg $0x60  }
0x26: {  	[dreg:$0x2] =	wrdreg s25  }
0x27: {  	[dreg:$0x3] =	wrdreg s2  }
0x28: {  	[dreg:$0x4] =	wrdreg $0x9  }
0x29: {  	_ =	task.clear_ibuf [dreg:s7], $0x5FFFF;
	_ =	strace $0x90000049  }
0x2a: {  	s29 =	simm.s32 $0x9;
	_ =	strace $0x8000004B  }
0x2b: {  	_ =	swait.ge [sflag:s29], $0x1  }
0x2c: {  	[sflag:s29] =	ssyncadd.s32 $0xFFFFFFFF  }
0x2d: {  	_ =	strace $0x9000004B  }
0x2e: {  	_ =	sfence  }
0x2f: {  	s30 =	sld [smem:$0x0];
	_ =	sdelay $0x2  }
0x30: {  	s31 =	sshll.u32 s1, $0xD;
	s1 =	sshrl.u32 s1, $0x2  }
0x31: {  	s3 =	sand.u32 $0x4000, s31;
	s1 =	sadd.s32 s1, s30  }
0x32: {  	s0 =	sor.u32 s3, s0;
	s1 =	sshll.u32 s1, $0x11  }
0x33: {  	s0 =	sor.u32 s1, s0  }
0x34: {  	s0 =	sadd.s32 $0x8F2B, s0  }
0x35: {  	[sflag:s0] =	ssyncadd.remote.s32 $0x1  }
0x36: {  	_ =	sfence.sel $0xFFFF  }
0x37: {  	[dreg:$0x0] =	wrdreg $0xFFFFFFFF;
	(pc) =	sbr.abs _section_cstart, $3  }
0x38: {  	[dreg:$0x1] =	wrdreg $0xFFFFFFFF  }
0x39: {  	_ =	task.clear_ibuf [dreg:s7], $0x2FFFF;
	_ =	strace $0x9FFFFFFF  }
0x3a: {  	(tm) =	ssettm $0x7FFFFFFF  }
0x3b: {  	_ =	shalt  }
tec
execute0_lowered:
.L_overlay_start_1:
0x0: {  	(tag) =	ssettag $0x1  }
0x1: {  	s0 =	srdreg.scid  }
0x2: {  	s1 =	sshll.u32 s0, $0x4  }
0x3: {  	s0 =	stileid.u32;
	s1 =	sand.u32 $0x10, s1  }
0x4: {  	s1 =	sor.u32 s0, s1  }
0x5: {  	s6 =	rddreg [dreg:$0x0];
	s4 =	simm.s32 $0x1;
	s2 =	sshll.u32 s1, $0x7  }
0x6: {  	s7 =	simm.s32 $0x2;
	s12 =	simm.s32 $0x0;
	s1 =	ssub.s32 $0x1000, s2  }
0x7: {  	s8 =	simm.s32 $0x8000;
	s13 =	simm.s32 $0x0;
	s3 =	sand.u32 $0xF80, s1  }
0x8: {  	s9 =	simm.s32 $0x0;
	s5 =	sshrl.u32 s1, $0xC;
	p0 =	sne.s32 s3, $0x0  }
.Ltmp0:
0x9: {  	s1 =	rddreg [dreg:$0x2];
	s4 =	simm.s32 @!p0 $0x0;
	(pc) =	sbr.rel .LBB1_1-.Ltmp0, $4  }
0xa: {  	s11 =	simm.s32 $0x0;
	s3 =	rddreg [dreg:$0x1];
	s5 =	sadd.s32 s4, s5  }
0xb: {  	_ =	strace $0x8000004A;
	s4 =	simm.s32 $0x1;
	s5 =	smul.u32 $0xC8, s5  }
0xc: {  	s6 =	sadd.s32 $0xC00, s6;
	s10 =	smov.u32 s2;
	[sflag:s4] =	ssyncpa.u1 $0x0  }
0xd: {  	p0 =	por $0x0, $0x0;
	[sflag:s7] =	ssyncpa.u1 $0x0;
	s7 =	sor.u32 $0x1, s5  }
.LBB1_4:
0xe: {  	s16 =	sshll.u32 s13, $0x3;
	s17 =	sand.u32 $0x78, s13  }
0xf: {  	s30 =	sand.u32 $0x7E00, s13;
	s12 =	sshll.u32 s12, $0xF;
	s16 =	sand.u32 $0xC00, s16  }
0x10: {  	[tilespmem:s15+$0x810 ss:$0x81] =	vst.msk $0xffff, v2;
	s31 =	sand.u32 $0x7, s13;
	s16 =	sor.u32 s17, s16;
	s17 =	sadd.s32 s3, s30  }
0x11: {  	[tilespmem:s15+$0x1020 ss:$0x81] =	vst.msk $0xffff, v0;
	s13 =	sshll.u32 s31, $0x12;
	s12 =	sadd.s32 s12, s17;
	s16 =	sshrl.u32 s16, $0x3  }
0x12: {  	[tilespmem:s15+$0x0 ss:$0x81] =	vst.msk $0xffff, v1;
	s13 =	sor.u32 $0x400, s13;
	s12 =	sadd.s32 s16, s12  }
0x13: {  	[hbm4b:s12+s13] =	stream.strided.scatter [tilespmem:s14], [sflag:$0x2], $0x2000, s8, s13, $0x20;
	[tilespmem:$0x8080] =	vst v63  }
.LBB1_5:
0x14: {  	s14 =	sadd.s32 $0x1, s9  }
0x15: {  	s12 =	sadd.s32 $0x1000, s10;
	s16 =	smov.u32 s10;
	p2 =	sgt.s32 s14, $0xC7  }
0x16: {  	s16 =	smov.u32 @p2 s12  }
0x17: {  	s14 =	simm.s32 @p2 $0x0;
	p2 =	sgt.s32 s16, $0xFFF  }
0x18: {  	s16 =	smov.u32 @p2 s2;
	p2 =	sne.s32 s11, s7  }
.Ltmp1:
0x19: {  	p1 =	slt.u32 s11, $0x2;
	(pc) =	sbr.rel @!p2 .LBB1_6-.Ltmp1, $4  }
0x1a: {  	s15 =	simm.s32 @!p1 $0x2  }
0x1b: {  	s13 =	smov.u32 s10;
	p0 =	por !p0, !p0;
	_ =	swait.ge @!p1 [sflag:s15], $0x2000  }
0x1c: {  	s12 =	smov.u32 s9;
	[sflag:s15] =	ssyncset.done @!p1 $0x0;
	s9 =	smov.u32 s14  }
0x1d: {  	s11 =	sadd.s32 $0x1, s11;
	[sflag:s15] =	ssyncadd.s32 @!p1 $0xFFFFE000;
	s10 =	smov.u32 s16  }
.LBB1_1:
0x1e: {  	p1 =	sge.u32 s11, s5  }
0x1f: {  	s14 =	sand.u32 @!p1 $0x1FFFFFF, s9  }
0x20: {  	s15 =	smulhi.u32 @!p1 $0x147AE15, s14;
	_ =	sdelay $0x1  }
0x21: {  	s15 =	smul.u32 @!p1 $0xC8, s15  }
0x22: {  	s16 =	sxor.u32 @!p1 $0xFFFFFFFF, s11;
	s17 =	smul.u32 @!p1 $0xC80, s10  }
0x23: {  	s31 =	sadd.s32 $0xFFFFFFFF, s11;
	s16 =	sshll.u32 @!p1 s16, $0xD;
	s14 =	ssub.s32 @!p1 s14, s15  }
0x24: {  	s15 =	sand.u32 @!p1 $0x2000, s16;
	s16 =	sadd.s32 @!p1 s6, s17;
	s14 =	sshll.u32 @!p1 s14, $0x4  }
0x25: {  	s17 =	simm.s32 @!p1 $0x6400;
	s14 =	sadd.s32 @!p1 s14, s16;
	s16 =	simm.s32 @!p1 $0x40  }
0x26: {  	[tilespmem:s15], [sflag:$0x1] =	stream.strided.gather @!p1 [hbm4b:s14+s16], $0x2000, s17, s16, $0x38;
	[tilespmem:$0x8080] =	vst v63  }
0x27: {  	p1 =	sge.u32 s31, s5  }
.Ltmp2:
0x28: {  	_ = 	snop;
	(pc) =	sbr.rel @p1 .LBB1_5-.Ltmp2, $1  }
0x29: {  	_ =	sdelay $0x3  }
0x2a: {  	s14 =	simm.s32 $0x1  }
0x2b: {  	_ =	swait.ge [sflag:s4], $0x2000;
	s14 =	simm.s32 @!p0 $0x0  }
0x2c: {  	[sflag:s4] =	ssyncset.done $0x0;
	s15 =	sshll.u32 s14, $0xD  }
0x2d: {  	[sflag:s4] =	ssyncadd.s32 $0xFFFFE000;
	s18 =	sor.u32 $0x20, s15  }
0x2e: {  	s14 =	smul.u32 $0x8100, s14;
	v3 =	vld [tilespmem:s18+$0x10]  }
0x2f: {  	s30 =	sand.u32 $0x1, s11;
	v2 =	vld [tilespmem:s18+$0xFFFFFFF0]  }
0x30: {  	s15 =	smul.u32 $0x8100, s30;
	s14 =	sshrl.u32 s14, $0x2;
	v0 =	vld [tilespmem:s18+$0x0]  }
0x31: {  	v1 =	vld [tilespmem:s18+$0xFFFFFFE0];
	s16 =	sor.u32 $0x4000, s14  }
0x32: {  	s31 =	sshrl.u32 s15, $0x2;
	s15 =	sadd.s32 $0x0, s16  }
0x33: {  	s17 =	simm.s32 $0x4;
	s18 =	sadd.s32 $0x40, s18;
	s14 =	sor.u32 $0x4000, s31;
	[tilespmem:s15+$0x1830 ss:$0x81] =	vst.msk $0xffff, v3  }
.LBB1_3:
0x34: {  	v3 =	vld [tilespmem:s18+$0x10];
	p1 =	sne.s32 s17, $0x1FC;
	[tilespmem:s15+$0x810 ss:$0x81] =	vst.msk $0xffff, v2;
	s19 =	smov.u32 s17;
	s17 =	sadd.s32 $0x4, s17  }
.Ltmp3:
0x35: {  	v2 =	vld [tilespmem:s18+$0xFFFFFFF0];
	[tilespmem:s15+$0x1020 ss:$0x81] =	vst.msk $0xffff, v0;
	(pc) =	sbr.rel @p1 .LBB1_3-.Ltmp3, $4  }
0x36: {  	v0 =	vld [tilespmem:s18+$0x0];
	[tilespmem:s15+$0x0 ss:$0x81] =	vst.msk $0xffff, v1  }
0x37: {  	s15 =	sshra.s32 s19, $0x2;
	v1 =	vld [tilespmem:s18+$0xFFFFFFE0]  }
0x38: {  	s15 =	sadd.s32 s15, s16  }
0x39: {  	s18 =	sadd.s32 $0x40, s18;
	[tilespmem:s15+$0x1830 ss:$0x81] =	vst.msk $0xffff, v3  }
.Ltmp4:
0x3a: {  	_ = 	snop;
	(pc) =	sbr.rel .LBB1_4-.Ltmp4, $1  }
0x3b: {  	_ =	sdelay $0x3  }
.LBB1_6:
0x3c: {  	_ =	sfence.sel $0x180000  }
0x3d: {  	s2 =	simm.s32 $0x1;
	[bflag:$0x0] =	sbarrier.arrive $0xFFFF  }
0x3e: {  	s31 =	simm.s32 $0x2;
	[sflag:s2] =	ssyncpa.u1 $0x1  }
0x3f: {  	[sflag:s31] =	ssyncpa.u1 $0x1  }
0x40: {  	p0 =	sne.s32 s0, $0x0;
	_ =	strace $0x9000004A  }
0x41: {  	s0 =	sadd.s32 @!p0 $0x100000, s1;
	[bflag:$0x2] =	sbarrier.arrive $0xFFFF  }
0x42: {  	[sflag:s0] =	ssyncadd.tile.s32 @!p0 $0x1;
	_ =	shalt  }
.Lfunc_end1:
_tile_overlayer_lowered:
.L_overlay_start_2:
0x43: {  	(tag) =	ssettag $0x2  }
0x44: {  	s0 =	rddreg [dreg:$0x0];
	s2 =	stileid.u32  }
0x45: {  	s1 =	rddreg [dreg:$0x1];
	p0 =	sne.s32 s2, $0x0  }
0x46: {  	s3 =	rddreg [dreg:$0x2];
	[bflag:$0x3] =	sbarrier.arrive $0xFFFF;
	s2 =	simm.s32 @!p0 $0x1C01  }
0x47: {  	[timem:s3], [sflag:s2] =	dma.local @!p0 [hbm:s0], s1  }
0x48: {  	s0 =	simm.s32 @!p0 $0x1  }
0x49: {  	_ =	swait.ge @!p0 [sflag:s0], s1  }
0x4a: {  	s1 =	ssub.s32 @!p0 $0x0, s1;
	[sflag:s0] =	ssyncset.done @!p0 $0x0  }
0x4b: {  	[sflag:s0] =	ssyncadd.s32 @!p0 s1  }
0x4c: {  	[bflag:$0x3] =	sbarrier.arrive $0xFFFF  }
0x4d: {  	_ =	shalt  }

</sc_bundles>
